<compile_context>
chip_gen: v7x
topology: tpu7x:2x2x1
jax: 0.10.2.dev20260603
libtpu: 0.0.44.dev20260713+nightly
codegen_flags: <defaults>
</compile_context>

<pallas_src>
import functools

import jax
import jax.numpy as jnp
from jax import lax
from jax.experimental import pallas as pl
from jax.experimental.pallas import tpu as pltpu
from jax.experimental.pallas import tpu_sc as plsc

BATCH = 16384
DIM = 64
PAIR = 2 * DIM
NUM_ROWS = 1000000
NUM_MEMS = 20
MARGIN = 1.0

_NC = 2
_NS = 16
_NW = _NC * _NS
_ROWS_PER_W = BATCH // _NW
_CHUNK = _ROWS_PER_W // 2


def _gather_item_body(pid2, nid2, iemb2, pe_out, ne_out,
                      pidx_v, nidx_v, pe_v, ne_v, s1, s2):
    wid = lax.axis_index("s") * _NC + lax.axis_index("c")
    base = wid * _ROWS_PER_W
    for half in range(2):
        sl = pl.ds(base + half * _CHUNK, _CHUNK)
        pltpu.sync_copy(pid2.at[sl], pidx_v)
        pltpu.sync_copy(nid2.at[sl], nidx_v)
        cp = pltpu.async_copy(iemb2.at[pidx_v], pe_v, s1)
        cn = pltpu.async_copy(iemb2.at[nidx_v], ne_v, s2)
        cp.wait()
        pltpu.sync_copy(pe_v, pe_out.at[sl])
        cn.wait()
        pltpu.sync_copy(ne_v, ne_out.at[sl])


def _gather_user_body(uid2, uemb2, ue_out, uidx_v, ue_v, s0):
    wid = lax.axis_index("s") * _NC + lax.axis_index("c")
    base = wid * _ROWS_PER_W
    for half in range(2):
        sl = pl.ds(base + half * _CHUNK, _CHUNK)
        pltpu.sync_copy(uid2.at[sl], uidx_v)
        pltpu.async_copy(uemb2.at[uidx_v], ue_v, s0).wait()
        pltpu.sync_copy(ue_v, ue_out.at[sl])


def _sc_gather_item(pid2, nid2, iemb2):
    mesh = plsc.VectorSubcoreMesh(core_axis_name="c", subcore_axis_name="s")
    f = pl.kernel(
        _gather_item_body,
        out_type=[jax.ShapeDtypeStruct((BATCH, PAIR), jnp.float32)] * 2,
        mesh=mesh,
        scratch_types=[
            pltpu.VMEM((_CHUNK,), jnp.int32),
            pltpu.VMEM((_CHUNK,), jnp.int32),
            pltpu.VMEM((_CHUNK, PAIR), jnp.float32),
            pltpu.VMEM((_CHUNK, PAIR), jnp.float32),
            pltpu.SemaphoreType.DMA,
            pltpu.SemaphoreType.DMA,
        ],
    )
    return f(pid2, nid2, iemb2)


def _sc_gather_user(uid2, uemb2):
    mesh = plsc.VectorSubcoreMesh(core_axis_name="c", subcore_axis_name="s")
    f = pl.kernel(
        _gather_user_body,
        out_type=jax.ShapeDtypeStruct((BATCH, PAIR), jnp.float32),
        mesh=mesh,
        scratch_types=[
            pltpu.VMEM((_CHUNK,), jnp.int32),
            pltpu.VMEM((_CHUNK, PAIR), jnp.float32),
            pltpu.SemaphoreType.DMA,
        ],
    )
    return f(uid2, uemb2)


_BLK = 2048


def _compute_body(key_ref, mem_ref, uh_ref, ph_ref, nh_ref,
                  ue_ref, pe_ref, ne_ref, out_ref):
    uh = uh_ref[...]
    ph = ph_ref[...]
    nh = nh_ref[...]
    ue = ue_ref[:, :DIM] * (1.0 - uh) + ue_ref[:, DIM:] * uh
    pe = pe_ref[:, :DIM] * (1.0 - ph) + pe_ref[:, DIM:] * ph
    ne = ne_ref[:, :DIM] * (1.0 - nh) + ne_ref[:, DIM:] * nh
    s = ue * pe
    logits = jnp.dot(s, key_ref[...], preferred_element_type=jnp.float32)
    m = jnp.max(logits, axis=-1, keepdims=True)
    w = jnp.exp(logits - m)
    attn = w / jnp.sum(w, axis=-1, keepdims=True)
    lat = jnp.dot(attn, mem_ref[...], preferred_element_type=jnp.float32)
    diff = ue + lat
    pos_d = jnp.sum(jnp.square(diff - pe), axis=-1)
    neg_d = jnp.sum(jnp.square(diff - ne), axis=-1)
    blk = jnp.sum(jnp.maximum(MARGIN + pos_d - neg_d, 0.0))

    @pl.when(pl.program_id(0) == 0)
    def _():
        out_ref[0, 0] = 0.0

    out_ref[0, 0] += blk


def _tc_compute(ue, pe, ne, uh, ph, nh, user_item_key, memories):
    grid = BATCH // _BLK
    emb_spec = pl.BlockSpec((_BLK, PAIR), lambda i: (i, 0))
    h_spec = pl.BlockSpec((_BLK, 1), lambda i: (i, 0))
    out = pl.pallas_call(
        _compute_body,
        grid=(grid,),
        in_specs=[
            pl.BlockSpec((DIM, NUM_MEMS), lambda i: (0, 0)),
            pl.BlockSpec((NUM_MEMS, DIM), lambda i: (0, 0)),
            h_spec, h_spec, h_spec,
            emb_spec, emb_spec, emb_spec,
        ],
        out_specs=pl.BlockSpec(memory_space=pltpu.SMEM),
        out_shape=jax.ShapeDtypeStruct((1, 1), jnp.float32),
    )(user_item_key, memories, uh, ph, nh, ue, pe, ne)
    return out[0, 0]


def kernel(user_ids, pos_ids, neg_ids, user_emb, item_emb, user_item_key, memories):
    uid = user_ids.astype(jnp.int32)
    pid = pos_ids.astype(jnp.int32)
    nid = neg_ids.astype(jnp.int32)
    uemb2 = jnp.reshape(user_emb, (NUM_ROWS // 2, PAIR))
    iemb2 = jnp.reshape(item_emb, (NUM_ROWS // 2, PAIR))
    pe, ne = _sc_gather_item(pid // 2, nid // 2, iemb2)
    ue = _sc_gather_user(uid // 2, uemb2)
    uh = (uid % 2).astype(jnp.float32).reshape(BATCH, 1)
    ph = (pid % 2).astype(jnp.float32).reshape(BATCH, 1)
    nh = (nid % 2).astype(jnp.float32).reshape(BATCH, 1)
    return _tc_compute(ue, pe, ne, uh, ph, nh, user_item_key, memories)

# --- scband reference (transcript-rebuilt; emitter-appended) ---
"""Pipeline reference for scband-lrml-52261162058002 (READ-ONLY COPY).

The authoritative reference and input builder live on the scoring server;
editing this copy changes nothing except your own understanding.
"""

import jax, jax.numpy as jnp
import numpy as np

NUM_USERS = 1000000
NUM_ITEMS = 1000000
NUM_MEMS = 20
DIM = 64
BATCH = 16384
MARGIN = 1.0


def setup_inputs(seed: int = 0) -> dict:
    key = jax.random.key(seed)
    k1, k2, k3, k4, k5, k6, k7 = jax.random.split(key, 7)
    user_ids = jax.random.randint(k1, (BATCH,), 0, NUM_USERS, dtype=jnp.int64 if jax.config.jax_enable_x64 else jnp.int32)
    pos_ids = jax.random.randint(k2, (BATCH,), 0, NUM_ITEMS, dtype=jnp.int64 if jax.config.jax_enable_x64 else jnp.int32)
    neg_ids = jax.random.randint(k3, (BATCH,), 0, NUM_ITEMS, dtype=jnp.int64 if jax.config.jax_enable_x64 else jnp.int32)
    user_emb = jax.random.normal(k4, (NUM_USERS, DIM), dtype=jnp.float32)
    item_emb = jax.random.normal(k5, (NUM_ITEMS, DIM), dtype=jnp.float32)
    user_item_key = jax.random.normal(k6, (DIM, NUM_MEMS), dtype=jnp.float32)
    memories = jax.random.normal(k7, (NUM_MEMS, DIM), dtype=jnp.float32)
    return {
        "user_ids": user_ids,
        "pos_ids": pos_ids,
        "neg_ids": neg_ids,
        "user_emb": user_emb,
        "item_emb": item_emb,
        "user_item_key": user_item_key,
        "memories": memories,
    }


def reference(user_ids, pos_ids, neg_ids, user_emb, item_emb, user_item_key, memories):
    ue = jnp.take(user_emb, user_ids, axis=0)
    pe = jnp.take(item_emb, pos_ids, axis=0)
    ne = jnp.take(item_emb, neg_ids, axis=0)
    user_pos_s = ue * pe
    attention_weight = jax.nn.softmax(user_pos_s @ user_item_key, axis=-1)
    latent_rel_vec = attention_weight @ memories
    pos_distances = jnp.sum(jnp.square(ue + latent_rel_vec - pe), axis=-1)
    neg_distances = jnp.sum(jnp.square(ue + latent_rel_vec - ne), axis=-1)
    loss = MARGIN + pos_distances - neg_distances
    return jnp.sum(jax.nn.relu(loss))

if __name__ == "__main__":
    import jax
    _d = setup_inputs()
    print(jax.jit(kernel)(*tuple(_d.values())))

</pallas_src>

<mosaic_0001>
#map = affine_map<(d0, d1) -> (0)>
#map1 = affine_map<(d0, d1) -> (0, 0)>
module attributes {stable_mosaic.version = 14 : i64} {
  func.func @_gather_user_body(%arg0: i32, %arg1: i32, %arg2: memref<16384xi32, #tpu.memory_space<hbm>>, %arg3: memref<500000x128xf32, #tpu.memory_space<hbm>>, %arg4: memref<16384x128xf32, #tpu.memory_space<hbm>>, %arg5: memref<256xi32, #tpu.memory_space<vmem>>, %arg6: memref<256x128xf32, #tpu.memory_space<vmem>>, %arg7: memref<!tpu.dma_semaphore, #tpu.memory_space<semaphore_mem>>) attributes {dimension_semantics = [#tpu.dimension_semantics<core_parallel>, #tpu.dimension_semantics<subcore_parallel>], iteration_bounds = array<i64: 2, 16>, scalar_prefetch = 0 : i64, scratch_operands = 3 : i64, tpu.core_type = #tpu.core_type<sc_vector_subcore>, window_params = [{transform_indices = #map}, {transform_indices = #map1}, {transform_indices = #map1}]} {
    %mul3A = arith.constant 2 : i32
    %mul3A_0 = arith.muli %arg1, %mul3A : i32
    %add3A = arith.addi %mul3A_0, %arg0 : i32
    %mul3A_1 = arith.constant 512 : i32
    %mul3A_2 = arith.muli %add3A, %mul3A_1 : i32
    %add3A_3 = arith.constant 0 : i32
    %add3A_4 = arith.addi %mul3A_2, %add3A_3 : i32
    "tpu.region"() ({
      %run_scoped3A = tpu.sem_alloc : memref<!tpu.dma_semaphore, #tpu.memory_space<semaphore_mem>>
      %dma_start3A_17 = tpu.memref_slice %arg2[%add3A_4] : memref<16384xi32, #tpu.memory_space<hbm>> -> memref<256xi32, #tpu.memory_space<hbm>>
      %dma_start3A_18 = tpu.memref_slice %arg2[%add3A_4] : memref<16384xi32, #tpu.memory_space<hbm>> -> memref<256xi32, #tpu.memory_space<hbm>>
      tpu.enqueue_dma source(%dma_start3A_18 : memref<256xi32, #tpu.memory_space<hbm>>) target(%arg5 : memref<256xi32, #tpu.memory_space<vmem>>) target_semaphore(%run_scoped3A : memref<!tpu.dma_semaphore, #tpu.memory_space<semaphore_mem>>)
      %dma_wait3A_19 = tpu.memref_slice %arg2[%add3A_4] : memref<16384xi32, #tpu.memory_space<hbm>> -> memref<256xi32, #tpu.memory_space<hbm>>
      %dma_wait3A_20 = tpu.memref_slice %arg2[%add3A_4] : memref<16384xi32, #tpu.memory_space<hbm>> -> memref<256xi32, #tpu.memory_space<hbm>>
      tpu.wait_dma2 semaphore(%run_scoped3A : memref<!tpu.dma_semaphore, #tpu.memory_space<semaphore_mem>>) src(%dma_wait3A_20 : memref<256xi32, #tpu.memory_space<hbm>>) dst(%arg5 : memref<256xi32, #tpu.memory_space<vmem>>)
      tpu.yield
    }) : () -> ()
    %dma_start3A = arith.constant 0 : i32
    %dma_start3A_5 = arith.constant 0 : i32
    %dma_start3A_6 = tpu.memref_slice %arg3[%dma_start3A, %dma_start3A_5] : memref<500000x128xf32, #tpu.memory_space<hbm>> -> memref<500000x128xf32, #tpu.memory_space<hbm>>
    tpu.enqueue_indirect_dma source(%dma_start3A_6 : memref<500000x128xf32, #tpu.memory_space<hbm>>) target(%arg6 : memref<256x128xf32, #tpu.memory_space<vmem>>) offsets(%arg5 : memref<256xi32, #tpu.memory_space<vmem>>) semaphore(%arg7 : memref<!tpu.dma_semaphore, #tpu.memory_space<semaphore_mem>>)
    %dma_wait3A = arith.constant 0 : i32
    %dma_wait3A_7 = arith.constant 0 : i32
    %dma_wait3A_8 = tpu.memref_slice %arg3[%dma_wait3A, %dma_wait3A_7] : memref<500000x128xf32, #tpu.memory_space<hbm>> -> memref<500000x128xf32, #tpu.memory_space<hbm>>
    tpu.wait_indirect_dma semaphore(%arg7 : memref<!tpu.dma_semaphore, #tpu.memory_space<semaphore_mem>>) src(%dma_wait3A_8 : memref<500000x128xf32, #tpu.memory_space<hbm>>) dst(%arg6 : memref<256x128xf32, #tpu.memory_space<vmem>>)
    "tpu.region"() ({
      %run_scoped3A = tpu.sem_alloc : memref<!tpu.dma_semaphore, #tpu.memory_space<semaphore_mem>>
      %dma_start3A_17 = arith.constant 0 : i32
      %dma_start3A_18 = tpu.memref_slice %arg4[%add3A_4, %dma_start3A_17] : memref<16384x128xf32, #tpu.memory_space<hbm>> -> memref<256x128xf32, #tpu.memory_space<hbm>>
      %dma_start3A_19 = arith.constant 0 : i32
      %dma_start3A_20 = tpu.memref_slice %arg4[%add3A_4, %dma_start3A_19] : memref<16384x128xf32, #tpu.memory_space<hbm>> -> memref<256x128xf32, #tpu.memory_space<hbm>>
      tpu.enqueue_dma source(%arg6 : memref<256x128xf32, #tpu.memory_space<vmem>>) target(%dma_start3A_20 : memref<256x128xf32, #tpu.memory_space<hbm>>) target_semaphore(%run_scoped3A : memref<!tpu.dma_semaphore, #tpu.memory_space<semaphore_mem>>)
      %dma_wait3A_21 = arith.constant 0 : i32
      %dma_wait3A_22 = tpu.memref_slice %arg4[%add3A_4, %dma_wait3A_21] : memref<16384x128xf32, #tpu.memory_space<hbm>> -> memref<256x128xf32, #tpu.memory_space<hbm>>
      %dma_wait3A_23 = arith.constant 0 : i32
      %dma_wait3A_24 = tpu.memref_slice %arg4[%add3A_4, %dma_wait3A_23] : memref<16384x128xf32, #tpu.memory_space<hbm>> -> memref<256x128xf32, #tpu.memory_space<hbm>>
      tpu.wait_dma2 semaphore(%run_scoped3A : memref<!tpu.dma_semaphore, #tpu.memory_space<semaphore_mem>>) src(%arg6 : memref<256x128xf32, #tpu.memory_space<vmem>>) dst(%dma_wait3A_24 : memref<256x128xf32, #tpu.memory_space<hbm>>)
      tpu.yield
    }) : () -> ()
    %add3A_9 = arith.constant 256 : i32
    %add3A_10 = arith.addi %mul3A_2, %add3A_9 : i32
    "tpu.region"() ({
      %run_scoped3A = tpu.sem_alloc : memref<!tpu.dma_semaphore, #tpu.memory_space<semaphore_mem>>
      %dma_start3A_17 = tpu.memref_slice %arg2[%add3A_10] : memref<16384xi32, #tpu.memory_space<hbm>> -> memref<256xi32, #tpu.memory_space<hbm>>
      %dma_start3A_18 = tpu.memref_slice %arg2[%add3A_10] : memref<16384xi32, #tpu.memory_space<hbm>> -> memref<256xi32, #tpu.memory_space<hbm>>
      tpu.enqueue_dma source(%dma_start3A_18 : memref<256xi32, #tpu.memory_space<hbm>>) target(%arg5 : memref<256xi32, #tpu.memory_space<vmem>>) target_semaphore(%run_scoped3A : memref<!tpu.dma_semaphore, #tpu.memory_space<semaphore_mem>>)
      %dma_wait3A_19 = tpu.memref_slice %arg2[%add3A_10] : memref<16384xi32, #tpu.memory_space<hbm>> -> memref<256xi32, #tpu.memory_space<hbm>>
      %dma_wait3A_20 = tpu.memref_slice %arg2[%add3A_10] : memref<16384xi32, #tpu.memory_space<hbm>> -> memref<256xi32, #tpu.memory_space<hbm>>
      tpu.wait_dma2 semaphore(%run_scoped3A : memref<!tpu.dma_semaphore, #tpu.memory_space<semaphore_mem>>) src(%dma_wait3A_20 : memref<256xi32, #tpu.memory_space<hbm>>) dst(%arg5 : memref<256xi32, #tpu.memory_space<vmem>>)
      tpu.yield
    }) : () -> ()
    %dma_start3A_11 = arith.constant 0 : i32
    %dma_start3A_12 = arith.constant 0 : i32
    %dma_start3A_13 = tpu.memref_slice %arg3[%dma_start3A_11, %dma_start3A_12] : memref<500000x128xf32, #tpu.memory_space<hbm>> -> memref<500000x128xf32, #tpu.memory_space<hbm>>
    tpu.enqueue_indirect_dma source(%dma_start3A_13 : memref<500000x128xf32, #tpu.memory_space<hbm>>) target(%arg6 : memref<256x128xf32, #tpu.memory_space<vmem>>) offsets(%arg5 : memref<256xi32, #tpu.memory_space<vmem>>) semaphore(%arg7 : memref<!tpu.dma_semaphore, #tpu.memory_space<semaphore_mem>>)
    %dma_wait3A_14 = arith.constant 0 : i32
    %dma_wait3A_15 = arith.constant 0 : i32
    %dma_wait3A_16 = tpu.memref_slice %arg3[%dma_wait3A_14, %dma_wait3A_15] : memref<500000x128xf32, #tpu.memory_space<hbm>> -> memref<500000x128xf32, #tpu.memory_space<hbm>>
    tpu.wait_indirect_dma semaphore(%arg7 : memref<!tpu.dma_semaphore, #tpu.memory_space<semaphore_mem>>) src(%dma_wait3A_16 : memref<500000x128xf32, #tpu.memory_space<hbm>>) dst(%arg6 : memref<256x128xf32, #tpu.memory_space<vmem>>)
    "tpu.region"() ({
      %run_scoped3A = tpu.sem_alloc : memref<!tpu.dma_semaphore, #tpu.memory_space<semaphore_mem>>
      %dma_start3A_17 = arith.constant 0 : i32
      %dma_start3A_18 = tpu.memref_slice %arg4[%add3A_10, %dma_start3A_17] : memref<16384x128xf32, #tpu.memory_space<hbm>> -> memref<256x128xf32, #tpu.memory_space<hbm>>
      %dma_start3A_19 = arith.constant 0 : i32
      %dma_start3A_20 = tpu.memref_slice %arg4[%add3A_10, %dma_start3A_19] : memref<16384x128xf32, #tpu.memory_space<hbm>> -> memref<256x128xf32, #tpu.memory_space<hbm>>
      tpu.enqueue_dma source(%arg6 : memref<256x128xf32, #tpu.memory_space<vmem>>) target(%dma_start3A_20 : memref<256x128xf32, #tpu.memory_space<hbm>>) target_semaphore(%run_scoped3A : memref<!tpu.dma_semaphore, #tpu.memory_space<semaphore_mem>>)
      %dma_wait3A_21 = arith.constant 0 : i32
      %dma_wait3A_22 = tpu.memref_slice %arg4[%add3A_10, %dma_wait3A_21] : memref<16384x128xf32, #tpu.memory_space<hbm>> -> memref<256x128xf32, #tpu.memory_space<hbm>>
      %dma_wait3A_23 = arith.constant 0 : i32
      %dma_wait3A_24 = tpu.memref_slice %arg4[%add3A_10, %dma_wait3A_23] : memref<16384x128xf32, #tpu.memory_space<hbm>> -> memref<256x128xf32, #tpu.memory_space<hbm>>
      tpu.wait_dma2 semaphore(%run_scoped3A : memref<!tpu.dma_semaphore, #tpu.memory_space<semaphore_mem>>) src(%arg6 : memref<256x128xf32, #tpu.memory_space<vmem>>) dst(%dma_wait3A_24 : memref<256x128xf32, #tpu.memory_space<hbm>>)
      tpu.yield
    }) : () -> ()
    return
  }
}

#map = affine_map<(d0, d1) -> (0)>
#map1 = affine_map<(d0, d1) -> (0, 0)>
module attributes {stable_mosaic.version = 14 : i64} {
  func.func @_gather_item_body(%arg0: i32, %arg1: i32, %arg2: memref<16384xi32, #tpu.memory_space<hbm>>, %arg3: memref<16384xi32, #tpu.memory_space<hbm>>, %arg4: memref<500000x128xf32, #tpu.memory_space<hbm>>, %arg5: memref<16384x128xf32, #tpu.memory_space<hbm>>, %arg6: memref<16384x128xf32, #tpu.memory_space<hbm>>, %arg7: memref<256xi32, #tpu.memory_space<vmem>>, %arg8: memref<256xi32, #tpu.memory_space<vmem>>, %arg9: memref<256x128xf32, #tpu.memory_space<vmem>>, %arg10: memref<256x128xf32, #tpu.memory_space<vmem>>, %arg11: memref<!tpu.dma_semaphore, #tpu.memory_space<semaphore_mem>>, %arg12: memref<!tpu.dma_semaphore, #tpu.memory_space<semaphore_mem>>) attributes {dimension_semantics = [#tpu.dimension_semantics<core_parallel>, #tpu.dimension_semantics<subcore_parallel>], iteration_bounds = array<i64: 2, 16>, scalar_prefetch = 0 : i64, scratch_operands = 6 : i64, tpu.core_type = #tpu.core_type<sc_vector_subcore>, window_params = [{transform_indices = #map}, {transform_indices = #map}, {transform_indices = #map1}, {transform_indices = #map1}, {transform_indices = #map1}]} {
    %mul3A = arith.constant 2 : i32
    %mul3A_0 = arith.muli %arg1, %mul3A : i32
    %add3A = arith.addi %mul3A_0, %arg0 : i32
    %mul3A_1 = arith.constant 512 : i32
    %mul3A_2 = arith.muli %add3A, %mul3A_1 : i32
    %add3A_3 = arith.constant 0 : i32
    %add3A_4 = arith.addi %mul3A_2, %add3A_3 : i32
    "tpu.region"() ({
      %run_scoped3A = tpu.sem_alloc : memref<!tpu.dma_semaphore, #tpu.memory_space<semaphore_mem>>
      %dma_start3A_29 = tpu.memref_slice %arg2[%add3A_4] : memref<16384xi32, #tpu.memory_space<hbm>> -> memref<256xi32, #tpu.memory_space<hbm>>
      %dma_start3A_30 = tpu.memref_slice %arg2[%add3A_4] : memref<16384xi32, #tpu.memory_space<hbm>> -> memref<256xi32, #tpu.memory_space<hbm>>
      tpu.enqueue_dma source(%dma_start3A_30 : memref<256xi32, #tpu.memory_space<hbm>>) target(%arg7 : memref<256xi32, #tpu.memory_space<vmem>>) target_semaphore(%run_scoped3A : memref<!tpu.dma_semaphore, #tpu.memory_space<semaphore_mem>>)
      %dma_wait3A_31 = tpu.memref_slice %arg2[%add3A_4] : memref<16384xi32, #tpu.memory_space<hbm>> -> memref<256xi32, #tpu.memory_space<hbm>>
      %dma_wait3A_32 = tpu.memref_slice %arg2[%add3A_4] : memref<16384xi32, #tpu.memory_space<hbm>> -> memref<256xi32, #tpu.memory_space<hbm>>
      tpu.wait_dma2 semaphore(%run_scoped3A : memref<!tpu.dma_semaphore, #tpu.memory_space<semaphore_mem>>) src(%dma_wait3A_32 : memref<256xi32, #tpu.memory_space<hbm>>) dst(%arg7 : memref<256xi32, #tpu.memory_space<vmem>>)
      tpu.yield
    }) : () -> ()
    "tpu.region"() ({
      %run_scoped3A = tpu.sem_alloc : memref<!tpu.dma_semaphore, #tpu.memory_space<semaphore_mem>>
      %dma_start3A_29 = tpu.memref_slice %arg3[%add3A_4] : memref<16384xi32, #tpu.memory_space<hbm>> -> memref<256xi32, #tpu.memory_space<hbm>>
      %dma_start3A_30 = tpu.memref_slice %arg3[%add3A_4] : memref<16384xi32, #tpu.memory_space<hbm>> -> memref<256xi32, #tpu.memory_space<hbm>>
      tpu.enqueue_dma source(%dma_start3A_30 : memref<256xi32, #tpu.memory_space<hbm>>) target(%arg8 : memref<256xi32, #tpu.memory_space<vmem>>) target_semaphore(%run_scoped3A : memref<!tpu.dma_semaphore, #tpu.memory_space<semaphore_mem>>)
      %dma_wait3A_31 = tpu.memref_slice %arg3[%add3A_4] : memref<16384xi32, #tpu.memory_space<hbm>> -> memref<256xi32, #tpu.memory_space<hbm>>
      %dma_wait3A_32 = tpu.memref_slice %arg3[%add3A_4] : memref<16384xi32, #tpu.memory_space<hbm>> -> memref<256xi32, #tpu.memory_space<hbm>>
      tpu.wait_dma2 semaphore(%run_scoped3A : memref<!tpu.dma_semaphore, #tpu.memory_space<semaphore_mem>>) src(%dma_wait3A_32 : memref<256xi32, #tpu.memory_space<hbm>>) dst(%arg8 : memref<256xi32, #tpu.memory_space<vmem>>)
      tpu.yield
    }) : () -> ()
    %dma_start3A = arith.constant 0 : i32
    %dma_start3A_5 = arith.constant 0 : i32
    %dma_start3A_6 = tpu.memref_slice %arg4[%dma_start3A, %dma_start3A_5] : memref<500000x128xf32, #tpu.memory_space<hbm>> -> memref<500000x128xf32, #tpu.memory_space<hbm>>
    tpu.enqueue_indirect_dma source(%dma_start3A_6 : memref<500000x128xf32, #tpu.memory_space<hbm>>) target(%arg9 : memref<256x128xf32, #tpu.memory_space<vmem>>) offsets(%arg7 : memref<256xi32, #tpu.memory_space<vmem>>) semaphore(%arg11 : memref<!tpu.dma_semaphore, #tpu.memory_space<semaphore_mem>>)
    %dma_start3A_7 = arith.constant 0 : i32
    %dma_start3A_8 = arith.constant 0 : i32
    %dma_start3A_9 = tpu.memref_slice %arg4[%dma_start3A_7, %dma_start3A_8] : memref<500000x128xf32, #tpu.memory_space<hbm>> -> memref<500000x128xf32, #tpu.memory_space<hbm>>
    tpu.enqueue_indirect_dma source(%dma_start3A_9 : memref<500000x128xf32, #tpu.memory_space<hbm>>) target(%arg10 : memref<256x128xf32, #tpu.memory_space<vmem>>) offsets(%arg8 : memref<256xi32, #tpu.memory_space<vmem>>) semaphore(%arg12 : memref<!tpu.dma_semaphore, #tpu.memory_space<semaphore_mem>>)
    %dma_wait3A = arith.constant 0 : i32
    %dma_wait3A_10 = arith.constant 0 : i32
    %dma_wait3A_11 = tpu.memref_slice %arg4[%dma_wait3A, %dma_wait3A_10] : memref<500000x128xf32, #tpu.memory_space<hbm>> -> memref<500000x128xf32, #tpu.memory_space<hbm>>
    tpu.wait_indirect_dma semaphore(%arg11 : memref<!tpu.dma_semaphore, #tpu.memory_space<semaphore_mem>>) src(%dma_wait3A_11 : memref<500000x128xf32, #tpu.memory_space<hbm>>) dst(%arg9 : memref<256x128xf32, #tpu.memory_space<vmem>>)
    "tpu.region"() ({
      %run_scoped3A = tpu.sem_alloc : memref<!tpu.dma_semaphore, #tpu.memory_space<semaphore_mem>>
      %dma_start3A_29 = arith.constant 0 : i32
      %dma_start3A_30 = tpu.memref_slice %arg5[%add3A_4, %dma_start3A_29] : memref<16384x128xf32, #tpu.memory_space<hbm>> -> memref<256x128xf32, #tpu.memory_space<hbm>>
      %dma_start3A_31 = arith.constant 0 : i32
      %dma_start3A_32 = tpu.memref_slice %arg5[%add3A_4, %dma_start3A_31] : memref<16384x128xf32, #tpu.memory_space<hbm>> -> memref<256x128xf32, #tpu.memory_space<hbm>>
      tpu.enqueue_dma source(%arg9 : memref<256x128xf32, #tpu.memory_space<vmem>>) target(%dma_start3A_32 : memref<256x128xf32, #tpu.memory_space<hbm>>) target_semaphore(%run_scoped3A : memref<!tpu.dma_semaphore, #tpu.memory_space<semaphore_mem>>)
      %dma_wait3A_33 = arith.constant 0 : i32
      %dma_wait3A_34 = tpu.memref_slice %arg5[%add3A_4, %dma_wait3A_33] : memref<16384x128xf32, #tpu.memory_space<hbm>> -> memref<256x128xf32, #tpu.memory_space<hbm>>
      %dma_wait3A_35 = arith.constant 0 : i32
      %dma_wait3A_36 = tpu.memref_slice %arg5[%add3A_4, %dma_wait3A_35] : memref<16384x128xf32, #tpu.memory_space<hbm>> -> memref<256x128xf32, #tpu.memory_space<hbm>>
      tpu.wait_dma2 semaphore(%run_scoped3A : memref<!tpu.dma_semaphore, #tpu.memory_space<semaphore_mem>>) src(%arg9 : memref<256x128xf32, #tpu.memory_space<vmem>>) dst(%dma_wait3A_36 : memref<256x128xf32, #tpu.memory_space<hbm>>)
      tpu.yield
    }) : () -> ()
    %dma_wait3A_12 = arith.constant 0 : i32
    %dma_wait3A_13 = arith.constant 0 : i32
    %dma_wait3A_14 = tpu.memref_slice %arg4[%dma_wait3A_12, %dma_wait3A_13] : memref<500000x128xf32, #tpu.memory_space<hbm>> -> memref<500000x128xf32, #tpu.memory_space<hbm>>
    tpu.wait_indirect_dma semaphore(%arg12 : memref<!tpu.dma_semaphore, #tpu.memory_space<semaphore_mem>>) src(%dma_wait3A_14 : memref<500000x128xf32, #tpu.memory_space<hbm>>) dst(%arg10 : memref<256x128xf32, #tpu.memory_space<vmem>>)
    "tpu.region"() ({
      %run_scoped3A = tpu.sem_alloc : memref<!tpu.dma_semaphore, #tpu.memory_space<semaphore_mem>>
      %dma_start3A_29 = arith.constant 0 : i32
      %dma_start3A_30 = tpu.memref_slice %arg6[%add3A_4, %dma_start3A_29] : memref<16384x128xf32, #tpu.memory_space<hbm>> -> memref<256x128xf32, #tpu.memory_space<hbm>>
      %dma_start3A_31 = arith.constant 0 : i32
      %dma_start3A_32 = tpu.memref_slice %arg6[%add3A_4, %dma_start3A_31] : memref<16384x128xf32, #tpu.memory_space<hbm>> -> memref<256x128xf32, #tpu.memory_space<hbm>>
      tpu.enqueue_dma source(%arg10 : memref<256x128xf32, #tpu.memory_space<vmem>>) target(%dma_start3A_32 : memref<256x128xf32, #tpu.memory_space<hbm>>) target_semaphore(%run_scoped3A : memref<!tpu.dma_semaphore, #tpu.memory_space<semaphore_mem>>)
      %dma_wait3A_33 = arith.constant 0 : i32
      %dma_wait3A_34 = tpu.memref_slice %arg6[%add3A_4, %dma_wait3A_33] : memref<16384x128xf32, #tpu.memory_space<hbm>> -> memref<256x128xf32, #tpu.memory_space<hbm>>
      %dma_wait3A_35 = arith.constant 0 : i32
      %dma_wait3A_36 = tpu.memref_slice %arg6[%add3A_4, %dma_wait3A_35] : memref<16384x128xf32, #tpu.memory_space<hbm>> -> memref<256x128xf32, #tpu.memory_space<hbm>>
      tpu.wait_dma2 semaphore(%run_scoped3A : memref<!tpu.dma_semaphore, #tpu.memory_space<semaphore_mem>>) src(%arg10 : memref<256x128xf32, #tpu.memory_space<vmem>>) dst(%dma_wait3A_36 : memref<256x128xf32, #tpu.memory_space<hbm>>)
      tpu.yield
    }) : () -> ()
    %add3A_15 = arith.constant 256 : i32
    %add3A_16 = arith.addi %mul3A_2, %add3A_15 : i32
    "tpu.region"() ({
      %run_scoped3A = tpu.sem_alloc : memref<!tpu.dma_semaphore, #tpu.memory_space<semaphore_mem>>
      %dma_start3A_29 = tpu.memref_slice %arg2[%add3A_16] : memref<16384xi32, #tpu.memory_space<hbm>> -> memref<256xi32, #tpu.memory_space<hbm>>
      %dma_start3A_30 = tpu.memref_slice %arg2[%add3A_16] : memref<16384xi32, #tpu.memory_space<hbm>> -> memref<256xi32, #tpu.memory_space<hbm>>
      tpu.enqueue_dma source(%dma_start3A_30 : memref<256xi32, #tpu.memory_space<hbm>>) target(%arg7 : memref<256xi32, #tpu.memory_space<vmem>>) target_semaphore(%run_scoped3A : memref<!tpu.dma_semaphore, #tpu.memory_space<semaphore_mem>>)
      %dma_wait3A_31 = tpu.memref_slice %arg2[%add3A_16] : memref<16384xi32, #tpu.memory_space<hbm>> -> memref<256xi32, #tpu.memory_space<hbm>>
      %dma_wait3A_32 = tpu.memref_slice %arg2[%add3A_16] : memref<16384xi32, #tpu.memory_space<hbm>> -> memref<256xi32, #tpu.memory_space<hbm>>
      tpu.wait_dma2 semaphore(%run_scoped3A : memref<!tpu.dma_semaphore, #tpu.memory_space<semaphore_mem>>) src(%dma_wait3A_32 : memref<256xi32, #tpu.memory_space<hbm>>) dst(%arg7 : memref<256xi32, #tpu.memory_space<vmem>>)
      tpu.yield
    }) : () -> ()
    "tpu.region"() ({
      %run_scoped3A = tpu.sem_alloc : memref<!tpu.dma_semaphore, #tpu.memory_space<semaphore_mem>>
      %dma_start3A_29 = tpu.memref_slice %arg3[%add3A_16] : memref<16384xi32, #tpu.memory_space<hbm>> -> memref<256xi32, #tpu.memory_space<hbm>>
      %dma_start3A_30 = tpu.memref_slice %arg3[%add3A_16] : memref<16384xi32, #tpu.memory_space<hbm>> -> memref<256xi32, #tpu.memory_space<hbm>>
      tpu.enqueue_dma source(%dma_start3A_30 : memref<256xi32, #tpu.memory_space<hbm>>) target(%arg8 : memref<256xi32, #tpu.memory_space<vmem>>) target_semaphore(%run_scoped3A : memref<!tpu.dma_semaphore, #tpu.memory_space<semaphore_mem>>)
      %dma_wait3A_31 = tpu.memref_slice %arg3[%add3A_16] : memref<16384xi32, #tpu.memory_space<hbm>> -> memref<256xi32, #tpu.memory_space<hbm>>
      %dma_wait3A_32 = tpu.memref_slice %arg3[%add3A_16] : memref<16384xi32, #tpu.memory_space<hbm>> -> memref<256xi32, #tpu.memory_space<hbm>>
      tpu.wait_dma2 semaphore(%run_scoped3A : memref<!tpu.dma_semaphore, #tpu.memory_space<semaphore_mem>>) src(%dma_wait3A_32 : memref<256xi32, #tpu.memory_space<hbm>>) dst(%arg8 : memref<256xi32, #tpu.memory_space<vmem>>)
      tpu.yield
    }) : () -> ()
    %dma_start3A_17 = arith.constant 0 : i32
    %dma_start3A_18 = arith.constant 0 : i32
    %dma_start3A_19 = tpu.memref_slice %arg4[%dma_start3A_17, %dma_start3A_18] : memref<500000x128xf32, #tpu.memory_space<hbm>> -> memref<500000x128xf32, #tpu.memory_space<hbm>>
    tpu.enqueue_indirect_dma source(%dma_start3A_19 : memref<500000x128xf32, #tpu.memory_space<hbm>>) target(%arg9 : memref<256x128xf32, #tpu.memory_space<vmem>>) offsets(%arg7 : memref<256xi32, #tpu.memory_space<vmem>>) semaphore(%arg11 : memref<!tpu.dma_semaphore, #tpu.memory_space<semaphore_mem>>)
    %dma_start3A_20 = arith.constant 0 : i32
    %dma_start3A_21 = arith.constant 0 : i32
    %dma_start3A_22 = tpu.memref_slice %arg4[%dma_start3A_20, %dma_start3A_21] : memref<500000x128xf32, #tpu.memory_space<hbm>> -> memref<500000x128xf32, #tpu.memory_space<hbm>>
    tpu.enqueue_indirect_dma source(%dma_start3A_22 : memref<500000x128xf32, #tpu.memory_space<hbm>>) target(%arg10 : memref<256x128xf32, #tpu.memory_space<vmem>>) offsets(%arg8 : memref<256xi32, #tpu.memory_space<vmem>>) semaphore(%arg12 : memref<!tpu.dma_semaphore, #tpu.memory_space<semaphore_mem>>)
    %dma_wait3A_23 = arith.constant 0 : i32
    %dma_wait3A_24 = arith.constant 0 : i32
    %dma_wait3A_25 = tpu.memref_slice %arg4[%dma_wait3A_23, %dma_wait3A_24] : memref<500000x128xf32, #tpu.memory_space<hbm>> -> memref<500000x128xf32, #tpu.memory_space<hbm>>
    tpu.wait_indirect_dma semaphore(%arg11 : memref<!tpu.dma_semaphore, #tpu.memory_space<semaphore_mem>>) src(%dma_wait3A_25 : memref<500000x128xf32, #tpu.memory_space<hbm>>) dst(%arg9 : memref<256x128xf32, #tpu.memory_space<vmem>>)
    "tpu.region"() ({
      %run_scoped3A = tpu.sem_alloc : memref<!tpu.dma_semaphore, #tpu.memory_space<semaphore_mem>>
      %dma_start3A_29 = arith.constant 0 : i32
      %dma_start3A_30 = tpu.memref_slice %arg5[%add3A_16, %dma_start3A_29] : memref<16384x128xf32, #tpu.memory_space<hbm>> -> memref<256x128xf32, #tpu.memory_space<hbm>>
      %dma_start3A_31 = arith.constant 0 : i32
      %dma_start3A_32 = tpu.memref_slice %arg5[%add3A_16, %dma_start3A_31] : memref<16384x128xf32, #tpu.memory_space<hbm>> -> memref<256x128xf32, #tpu.memory_space<hbm>>
      tpu.enqueue_dma source(%arg9 : memref<256x128xf32, #tpu.memory_space<vmem>>) target(%dma_start3A_32 : memref<256x128xf32, #tpu.memory_space<hbm>>) target_semaphore(%run_scoped3A : memref<!tpu.dma_semaphore, #tpu.memory_space<semaphore_mem>>)
      %dma_wait3A_33 = arith.constant 0 : i32
      %dma_wait3A_34 = tpu.memref_slice %arg5[%add3A_16, %dma_wait3A_33] : memref<16384x128xf32, #tpu.memory_space<hbm>> -> memref<256x128xf32, #tpu.memory_space<hbm>>
      %dma_wait3A_35 = arith.constant 0 : i32
      %dma_wait3A_36 = tpu.memref_slice %arg5[%add3A_16, %dma_wait3A_35] : memref<16384x128xf32, #tpu.memory_space<hbm>> -> memref<256x128xf32, #tpu.memory_space<hbm>>
      tpu.wait_dma2 semaphore(%run_scoped3A : memref<!tpu.dma_semaphore, #tpu.memory_space<semaphore_mem>>) src(%arg9 : memref<256x128xf32, #tpu.memory_space<vmem>>) dst(%dma_wait3A_36 : memref<256x128xf32, #tpu.memory_space<hbm>>)
      tpu.yield
    }) : () -> ()
    %dma_wait3A_26 = arith.constant 0 : i32
    %dma_wait3A_27 = arith.constant 0 : i32
    %dma_wait3A_28 = tpu.memref_slice %arg4[%dma_wait3A_26, %dma_wait3A_27] : memref<500000x128xf32, #tpu.memory_space<hbm>> -> memref<500000x128xf32, #tpu.memory_space<hbm>>
    tpu.wait_indirect_dma semaphore(%arg12 : memref<!tpu.dma_semaphore, #tpu.memory_space<semaphore_mem>>) src(%dma_wait3A_28 : memref<500000x128xf32, #tpu.memory_space<hbm>>) dst(%arg10 : memref<256x128xf32, #tpu.memory_space<vmem>>)
    "tpu.region"() ({
      %run_scoped3A = tpu.sem_alloc : memref<!tpu.dma_semaphore, #tpu.memory_space<semaphore_mem>>
      %dma_start3A_29 = arith.constant 0 : i32
      %dma_start3A_30 = tpu.memref_slice %arg6[%add3A_16, %dma_start3A_29] : memref<16384x128xf32, #tpu.memory_space<hbm>> -> memref<256x128xf32, #tpu.memory_space<hbm>>
      %dma_start3A_31 = arith.constant 0 : i32
      %dma_start3A_32 = tpu.memref_slice %arg6[%add3A_16, %dma_start3A_31] : memref<16384x128xf32, #tpu.memory_space<hbm>> -> memref<256x128xf32, #tpu.memory_space<hbm>>
      tpu.enqueue_dma source(%arg10 : memref<256x128xf32, #tpu.memory_space<vmem>>) target(%dma_start3A_32 : memref<256x128xf32, #tpu.memory_space<hbm>>) target_semaphore(%run_scoped3A : memref<!tpu.dma_semaphore, #tpu.memory_space<semaphore_mem>>)
      %dma_wait3A_33 = arith.constant 0 : i32
      %dma_wait3A_34 = tpu.memref_slice %arg6[%add3A_16, %dma_wait3A_33] : memref<16384x128xf32, #tpu.memory_space<hbm>> -> memref<256x128xf32, #tpu.memory_space<hbm>>
      %dma_wait3A_35 = arith.constant 0 : i32
      %dma_wait3A_36 = tpu.memref_slice %arg6[%add3A_16, %dma_wait3A_35] : memref<16384x128xf32, #tpu.memory_space<hbm>> -> memref<256x128xf32, #tpu.memory_space<hbm>>
      tpu.wait_dma2 semaphore(%run_scoped3A : memref<!tpu.dma_semaphore, #tpu.memory_space<semaphore_mem>>) src(%arg10 : memref<256x128xf32, #tpu.memory_space<vmem>>) dst(%dma_wait3A_36 : memref<256x128xf32, #tpu.memory_space<hbm>>)
      tpu.yield
    }) : () -> ()
    return
  }
}

module attributes {stable_mosaic.version = 14 : i64} {
  func.func @_compute_body(%arg0: i32, %arg1: memref<64x20xf32, #tpu.memory_space<vmem>>, %arg2: memref<20x64xf32, #tpu.memory_space<vmem>>, %arg3: memref<2048x1xf32, #tpu.memory_space<vmem>>, %arg4: memref<2048x1xf32, #tpu.memory_space<vmem>>, %arg5: memref<2048x1xf32, #tpu.memory_space<vmem>>, %arg6: memref<2048x128xf32, #tpu.memory_space<vmem>>, %arg7: memref<2048x128xf32, #tpu.memory_space<vmem>>, %arg8: memref<2048x128xf32, #tpu.memory_space<vmem>>, %arg9: memref<1x1xf32, #tpu.memory_space<smem>>) attributes {dimension_semantics = [#tpu.dimension_semantics<arbitrary>], iteration_bounds = array<i64: 8>, scalar_prefetch = 0 : i64, scratch_operands = 0 : i64, tpu.core_type = #tpu.core_type<tc>, window_params = [{pipeline_mode = #tpu.pipeline_mode<synchronous>, transform_indices = @transform_0, window_bounds = array<i64: 64, 20>}, {pipeline_mode = #tpu.pipeline_mode<synchronous>, transform_indices = @transform_1, window_bounds = array<i64: 20, 64>}, {transform_indices = @transform_2, window_bounds = array<i64: 2048, 1>}, {transform_indices = @transform_3, window_bounds = array<i64: 2048, 1>}, {transform_indices = @transform_4, window_bounds = array<i64: 2048, 1>}, {transform_indices = @transform_5, window_bounds = array<i64: 2048, 128>}, {transform_indices = @transform_6, window_bounds = array<i64: 2048, 128>}, {transform_indices = @transform_7, window_bounds = array<i64: 2048, 128>}, {transform_indices = @transform_8, window_bounds = array<i64: 1, 1>}]} {
    %get3A = arith.constant 0 : index
    %get3A_0 = arith.constant 0 : index
    %get3A_1 = vector.load %arg3[%get3A, %get3A_0] : memref<2048x1xf32, #tpu.memory_space<vmem>>, vector<2048x1xf32>
    %get3A_2 = arith.constant 0 : index
    %get3A_3 = arith.constant 0 : index
    %get3A_4 = vector.load %arg4[%get3A_2, %get3A_3] : memref<2048x1xf32, #tpu.memory_space<vmem>>, vector<2048x1xf32>
    %get3A_5 = arith.constant 0 : index
    %get3A_6 = arith.constant 0 : index
    %get3A_7 = vector.load %arg5[%get3A_5, %get3A_6] : memref<2048x1xf32, #tpu.memory_space<vmem>>, vector<2048x1xf32>
    %get3A_8 = arith.constant 0 : index
    %get3A_9 = arith.constant 0 : index
    %get3A_10 = vector.load %arg6[%get3A_8, %get3A_9] : memref<2048x128xf32, #tpu.memory_space<vmem>>, vector<2048x64xf32>
    %sub3A = arith.constant 1.000000e+00 : f32
    %sub3A_11 = vector.broadcast %sub3A : f32 to vector<2048x1xf32>
    %sub3A_12 = arith.subf %sub3A_11, %get3A_1 : vector<2048x1xf32>
    %mul3A = vector.broadcast %sub3A_12 : vector<2048x1xf32> to vector<2048x64xf32>
    %mul3A_13 = arith.mulf %get3A_10, %mul3A : vector<2048x64xf32>
    %get3A_14 = arith.constant 0 : index
    %get3A_15 = arith.constant 64 : index
    %get3A_16 = vector.load %arg6[%get3A_14, %get3A_15] : memref<2048x128xf32, #tpu.memory_space<vmem>>, vector<2048x64xf32>
    %mul3A_17 = vector.broadcast %get3A_1 : vector<2048x1xf32> to vector<2048x64xf32>
    %mul3A_18 = arith.mulf %get3A_16, %mul3A_17 : vector<2048x64xf32>
    %add3A = arith.addf %mul3A_13, %mul3A_18 : vector<2048x64xf32>
    %get3A_19 = arith.constant 0 : index
    %get3A_20 = arith.constant 0 : index
    %get3A_21 = vector.load %arg7[%get3A_19, %get3A_20] : memref<2048x128xf32, #tpu.memory_space<vmem>>, vector<2048x64xf32>
    %sub3A_22 = arith.constant 1.000000e+00 : f32
    %sub3A_23 = vector.broadcast %sub3A_22 : f32 to vector<2048x1xf32>
    %sub3A_24 = arith.subf %sub3A_23, %get3A_4 : vector<2048x1xf32>
    %mul3A_25 = vector.broadcast %sub3A_24 : vector<2048x1xf32> to vector<2048x64xf32>
    %mul3A_26 = arith.mulf %get3A_21, %mul3A_25 : vector<2048x64xf32>
    %get3A_27 = arith.constant 0 : index
    %get3A_28 = arith.constant 64 : index
    %get3A_29 = vector.load %arg7[%get3A_27, %get3A_28] : memref<2048x128xf32, #tpu.memory_space<vmem>>, vector<2048x64xf32>
    %mul3A_30 = vector.broadcast %get3A_4 : vector<2048x1xf32> to vector<2048x64xf32>
    %mul3A_31 = arith.mulf %get3A_29, %mul3A_30 : vector<2048x64xf32>
    %add3A_32 = arith.addf %mul3A_26, %mul3A_31 : vector<2048x64xf32>
    %get3A_33 = arith.constant 0 : index
    %get3A_34 = arith.constant 0 : index
    %get3A_35 = vector.load %arg8[%get3A_33, %get3A_34] : memref<2048x128xf32, #tpu.memory_space<vmem>>, vector<2048x64xf32>
    %sub3A_36 = arith.constant 1.000000e+00 : f32
    %sub3A_37 = vector.broadcast %sub3A_36 : f32 to vector<2048x1xf32>
    %sub3A_38 = arith.subf %sub3A_37, %get3A_7 : vector<2048x1xf32>
    %mul3A_39 = vector.broadcast %sub3A_38 : vector<2048x1xf32> to vector<2048x64xf32>
    %mul3A_40 = arith.mulf %get3A_35, %mul3A_39 : vector<2048x64xf32>
    %get3A_41 = arith.constant 0 : index
    %get3A_42 = arith.constant 64 : index
    %get3A_43 = vector.load %arg8[%get3A_41, %get3A_42] : memref<2048x128xf32, #tpu.memory_space<vmem>>, vector<2048x64xf32>
    %mul3A_44 = vector.broadcast %get3A_7 : vector<2048x1xf32> to vector<2048x64xf32>
    %mul3A_45 = arith.mulf %get3A_43, %mul3A_44 : vector<2048x64xf32>
    %add3A_46 = arith.addf %mul3A_40, %mul3A_45 : vector<2048x64xf32>
    %mul3A_47 = arith.mulf %add3A, %add3A_32 : vector<2048x64xf32>
    %get3A_48 = arith.constant 0 : index
    %get3A_49 = arith.constant 0 : index
    %get3A_50 = vector.load %arg1[%get3A_48, %get3A_49] : memref<64x20xf32, #tpu.memory_space<vmem>>, vector<64x20xf32>
    %dot_general3A = arith.constant dense<0.000000e+00> : vector<2048x20xf32>
    %dot_general3A_51 = tpu.matmul %mul3A_47, %get3A_50, %dot_general3A {dimension_numbers = #tpu.dot_dimension_numbers<[1], [0], [0], [1], [0, 0, 1, 1], [], []>, transpose_lhs_hint = false} : vector<2048x64xf32>, vector<64x20xf32>, vector<2048x20xf32> -> vector<2048x20xf32>
    %reduce_max3A = arith.constant dense<0xFF800000> : vector<2048xf32>
    %reduce_max3A_52 = vector.multi_reduction <maximumf>, %dot_general3A_51, %reduce_max3A [1] : vector<2048x20xf32> to vector<2048xf32>
    %broadcast_in_dim3A = vector.shape_cast %reduce_max3A_52 : vector<2048xf32> to vector<2048x1xf32>
    %sub3A_53 = vector.broadcast %broadcast_in_dim3A : vector<2048x1xf32> to vector<2048x20xf32>
    %sub3A_54 = arith.subf %dot_general3A_51, %sub3A_53 : vector<2048x20xf32>
    %exp3A = math.exp %sub3A_54 : vector<2048x20xf32>
    %reduce_sum3A = arith.constant dense<0.000000e+00> : vector<2048xf32>
    %reduce_sum3A_55 = vector.multi_reduction <add>, %exp3A, %reduce_sum3A [1] : vector<2048x20xf32> to vector<2048xf32>
    %broadcast_in_dim3A_56 = vector.shape_cast %reduce_sum3A_55 : vector<2048xf32> to vector<2048x1xf32>
    %div3A = vector.broadcast %broadcast_in_dim3A_56 : vector<2048x1xf32> to vector<2048x20xf32>
    %div3A_57 = arith.divf %exp3A, %div3A : vector<2048x20xf32>
    %get3A_58 = arith.constant 0 : index
    %get3A_59 = arith.constant 0 : index
    %get3A_60 = vector.load %arg2[%get3A_58, %get3A_59] : memref<20x64xf32, #tpu.memory_space<vmem>>, vector<20x64xf32>
    %dot_general3A_61 = arith.constant dense<0.000000e+00> : vector<2048x64xf32>
    %dot_general3A_62 = tpu.matmul %div3A_57, %get3A_60, %dot_general3A_61 {dimension_numbers = #tpu.dot_dimension_numbers<[1], [0], [0], [1], [0, 0, 1, 1], [], []>, transpose_lhs_hint = false} : vector<2048x20xf32>, vector<20x64xf32>, vector<2048x64xf32> -> vector<2048x64xf32>
    %add3A_63 = arith.addf %add3A, %dot_general3A_62 : vector<2048x64xf32>
    %sub3A_64 = arith.subf %add3A_63, %add3A_32 : vector<2048x64xf32>
    %square3A = arith.mulf %sub3A_64, %sub3A_64 : vector<2048x64xf32>
    %reduce_sum3A_65 = arith.constant dense<0.000000e+00> : vector<2048xf32>
    %reduce_sum3A_66 = vector.multi_reduction <add>, %square3A, %reduce_sum3A_65 [1] : vector<2048x64xf32> to vector<2048xf32>
    %sub3A_67 = arith.subf %add3A_63, %add3A_46 : vector<2048x64xf32>
    %square3A_68 = arith.mulf %sub3A_67, %sub3A_67 : vector<2048x64xf32>
    %reduce_sum3A_69 = arith.constant dense<0.000000e+00> : vector<2048xf32>
    %reduce_sum3A_70 = vector.multi_reduction <add>, %square3A_68, %reduce_sum3A_69 [1] : vector<2048x64xf32> to vector<2048xf32>
    %add3A_71 = arith.constant 1.000000e+00 : f32
    %add3A_72 = vector.broadcast %add3A_71 : f32 to vector<2048xf32>
    %add3A_73 = arith.addf %add3A_72, %reduce_sum3A_66 : vector<2048xf32>
    %sub3A_74 = arith.subf %add3A_73, %reduce_sum3A_70 : vector<2048xf32>
    %max3A = arith.constant 0.000000e+00 : f32
    %max3A_75 = vector.broadcast %max3A : f32 to vector<2048xf32>
    %max3A_76 = arith.maximumf %sub3A_74, %max3A_75 : vector<2048xf32>
    %reduce_sum3A_77 = vector.shape_cast %max3A_76 : vector<2048xf32> to vector<1x2048xf32>
    %reduce_sum3A_78 = arith.constant dense<0.000000e+00> : vector<1xf32>
    %reduce_sum3A_79 = vector.multi_reduction <add>, %reduce_sum3A_77, %reduce_sum3A_78 [1] : vector<1x2048xf32> to vector<1xf32>
    %reduce_sum3A_80 = vector.shape_cast %reduce_sum3A_79 : vector<1xf32> to vector<1x1xf32>
    %reduce_sum3A_81 = vector.extract %reduce_sum3A_80[0, 0] : f32 from vector<1x1xf32>
    %eq3A = arith.constant 0 : i32
    %eq3A_82 = arith.cmpi eq, %arg0, %eq3A : i32
    %convert_element_type3A = arith.extui %eq3A_82 : i1 to i32
    %cond3A = arith.constant 0 : i32
    %cond3A_83 = arith.cmpi ne, %convert_element_type3A, %cond3A : i32
    scf.if %cond3A_83 {
      %swap3A_90 = arith.constant 0.000000e+00 : f32
      %swap3A_91 = arith.constant 0 : index
      %swap3A_92 = arith.constant 0 : index
      %swap3A_93 = memref.load %arg9[%swap3A_91, %swap3A_92] : memref<1x1xf32, #tpu.memory_space<smem>>
      memref.store %swap3A_90, %arg9[%swap3A_91, %swap3A_92] : memref<1x1xf32, #tpu.memory_space<smem>>
    } else {
    }
    %get3A_84 = arith.constant 0 : index
    %get3A_85 = arith.constant 0 : index
    %get3A_86 = memref.load %arg9[%get3A_84, %get3A_85] : memref<1x1xf32, #tpu.memory_space<smem>>
    %add3A_87 = arith.addf %get3A_86, %reduce_sum3A_81 : f32
    %swap3A = arith.constant 0 : index
    %swap3A_88 = arith.constant 0 : index
    %swap3A_89 = memref.load %arg9[%swap3A, %swap3A_88] : memref<1x1xf32, #tpu.memory_space<smem>>
    memref.store %add3A_87, %arg9[%swap3A, %swap3A_88] : memref<1x1xf32, #tpu.memory_space<smem>>
    return
  }
  func.func @transform_0(%arg0: i32) -> (i32, i32) {
    %c0_i32 = arith.constant 0 : i32
    %c0_i32_0 = arith.constant 0 : i32
    %c0_i32_1 = arith.constant 0 : i32
    return %c0_i32, %c0_i32_0 : i32, i32
  }
  func.func @transform_1(%arg0: i32) -> (i32, i32) {
    %c0_i32 = arith.constant 0 : i32
    %c0_i32_0 = arith.constant 0 : i32
    %c0_i32_1 = arith.constant 0 : i32
    return %c0_i32, %c0_i32_0 : i32, i32
  }
  func.func @transform_2(%arg0: i32) -> (i32, i32) {
    %c0_i32 = arith.constant 0 : i32
    %c0_i32_0 = arith.constant 0 : i32
    return %arg0, %c0_i32 : i32, i32
  }
  func.func @transform_3(%arg0: i32) -> (i32, i32) {
    %c0_i32 = arith.constant 0 : i32
    %c0_i32_0 = arith.constant 0 : i32
    return %arg0, %c0_i32 : i32, i32
  }
  func.func @transform_4(%arg0: i32) -> (i32, i32) {
    %c0_i32 = arith.constant 0 : i32
    %c0_i32_0 = arith.constant 0 : i32
    return %arg0, %c0_i32 : i32, i32
  }
  func.func @transform_5(%arg0: i32) -> (i32, i32) {
    %c0_i32 = arith.constant 0 : i32
    %c0_i32_0 = arith.constant 0 : i32
    return %arg0, %c0_i32 : i32, i32
  }
  func.func @transform_6(%arg0: i32) -> (i32, i32) {
    %c0_i32 = arith.constant 0 : i32
    %c0_i32_0 = arith.constant 0 : i32
    return %arg0, %c0_i32 : i32, i32
  }
  func.func @transform_7(%arg0: i32) -> (i32, i32) {
    %c0_i32 = arith.constant 0 : i32
    %c0_i32_0 = arith.constant 0 : i32
    return %arg0, %c0_i32 : i32, i32
  }
  func.func @transform_8(%arg0: i32) -> (i32, i32) {
    %c0_i32 = arith.constant 0 : i32
    %c0_i32_0 = arith.constant 0 : i32
    %c0_i32_1 = arith.constant 0 : i32
    return %c0_i32, %c0_i32_0 : i32, i32
  }
}

</mosaic_0001>

<sc_bundles>
// kernel: kernel.5.cloned.1.call-start
scs
__scs_entry_jumppad:
0x0: {  	(pc) =	sbr.rel $0x88, $3  }
0x1: {  	(tag) =	ssettag $0x0;
	lr =	simm.s32 $0x1  }
0x2: {  	[smem:$0x3F9A] =	sst lr;
	_ =	strace $0xD0000000  }
0x3: {  	_ = 	snop  }
0x4: {  	_ = 	snop  }
0x5: {  	_ = 	snop  }
0x6: {  	_ = 	snop  }
0x7: {  	_ = 	snop  }
__scs_overlays_trampoline_lowered:
0x8: {  	[smem:$0x3FA9] =	sst s0  }
0x9: {  	[smem:$0x3FAA] =	sst s1  }
0xa: {  	[smem:$0x3FAB] =	sst s2  }
0xb: {  	[smem:$0x3FAC] =	sst s3  }
0xc: {  	[smem:$0x3FAD] =	sst s4  }
0xd: {  	[smem:$0x3FAE] =	sst s5  }
0xe: {  	[smem:$0x3FAF] =	sst s6  }
0xf: {  	[smem:$0x3FB0] =	sst s7  }
0x10: {  	[smem:$0x3FB1] =	sst s8  }
0x11: {  	[smem:$0x3FB2] =	sst s9;
	s0 =	simm.s32 @!p0 $0x0  }
0x12: {  	s1 =	sld [smem:$0x3F98];
	s0 =	simm.s32 @p0 $0x1  }
0x13: {  	[smem:$0x3FB3] =	sst s0;
	s0 =	simm.s32 @!p1 $0x0  }
0x14: {  	s2 =	sld [smem:$0x3F97];
	s0 =	simm.s32 @p1 $0x1  }
0x15: {  	[smem:$0x3FB4] =	sst s0;
	s0 =	simm.s32 @!p2 $0x0  }
0x16: {  	s3 =	sld [smem:$0x3FDB];
	s0 =	simm.s32 @p2 $0x1  }
0x17: {  	s4 =	simm.s32 $0x1BF5;
	[smem:$0x3FB6] =	sst s0  }
0x18: {  	s0 =	sld [smem:$0x3F99];
	_ =	swait.ge [sflag:s4], $0x0  }
0x19: {  	s7 =	sld [smem:$0x3F9A]  }
0x1a: {  	s8 =	sadd.s32 $0xFFFFE003, lr  }
0x1b: {  	s9 =	sadd.s32 $0xFFFFFEF7, lr;
	s5 =	simm.s32 $0xFFFFFFFF;
	p2 =	slt.u32 s8, $0xFFFFF086  }
0x1c: {  	p1 =	slt.u32 s9, $0xF7A;
	s5 =	simm.s32 @!p2 $0x0  }
0x1d: {  	s5 =	simm.s32 @p1 $0x1;
	p0 =	seq.s32 s7, s2  }
0x1e: {  	s7 =	smul.u32 @!p0 $0xF7A, s2;
	p2 =	seq.s32 @!p0 s5, $0x0  }
0x1f: {  	s9 =	smul.u32 $0xF7A, s1;
	s8 =	simm.s32 @!p0 $0x1BF5;
	p2 =	por !p2, p0  }
0x20: {  	[sflag:s8] =	ssyncset.s32 @!p0 $0xFFFFF086;
	s6 =	sadd.s32 @!p0 s3, s7;
	s7 =	simm.s32 @!p0 $0x108  }
0x21: {  	s3 =	sadd.s32 s3, s9;
	s6 =	sadd.s32 @!p0 $0x88, s6;
	s7 =	simm.s32 @p2 $0x1082  }
0x22: {  	[simem:s7], [sflag:s8] =	dma.local @!p0 [hbm:s6], $0xF7A  }
0x23: {  	s9 =	sor.u32 $0xD0000000, s2;
	s6 =	simm.s32 $0x108;
	_ =	swait.ge @!p0 [sflag:s8], $0x0  }
0x24: {  	s3 =	sadd.s32 $0x88, s3;
	s6 =	simm.s32 @!p1 $0x1082;
	[sflag:s4] =	ssyncset.s32 $0xFFFFF086  }
0x25: {  	[simem:s6], [sflag:s4] =	dma.local [hbm:s3], $0xF7A  }
0x26: {  	[smem:$0x3F9A] =	sst s1;
	(tag) =	ssettag s2;
	_ =	strace s9  }
0x27: {  	s1 =	sld [smem:$0x3FAA]  }
0x28: {  	s2 =	sld [smem:$0x3FAB]  }
0x29: {  	s4 =	sld [smem:$0x3FAD]  }
0x2a: {  	p0 =	seq.s32 s5, $0x0;
	s5 =	sld [smem:$0x3FAE]  }
0x2b: {  	s6 =	sld [smem:$0x3FAF]  }
0x2c: {  	s7 =	sld [smem:$0x3FB0]  }
0x2d: {  	s3 =	simm.s32 $0x108;
	s8 =	sld [smem:$0x3FB1]  }
0x2e: {  	s3 =	simm.s32 @!p0 $0x1082;
	s9 =	sld [smem:$0x3FB2]  }
0x2f: {  	lr =	sadd.s32 s0, s3;
	s0 =	sld [smem:$0x3FA9]  }
0x30: {  	s3 =	sld [smem:$0x3FAC]  }
0x31: {  	[smem:$0x3FB5] =	sst s10  }
0x32: {  	s10 =	sld [smem:$0x3FB3];
	_ =	sdelay $0x3  }
0x33: {  	p0 =	seq.s32 s10, $0x1;
	s10 =	sld [smem:$0x3FB5];
	_ =	sdelay $0x3  }
0x34: {  	[smem:$0x3FB5] =	sst s10  }
0x35: {  	s10 =	sld [smem:$0x3FB4];
	_ =	sdelay $0x3  }
0x36: {  	p1 =	seq.s32 s10, $0x1;
	s10 =	sld [smem:$0x3FB5];
	_ =	sdelay $0x3  }
0x37: {  	[smem:$0x3FB5] =	sst s10  }
0x38: {  	s10 =	sld [smem:$0x3FB6]  }
0x39: {  	_ = 	snop;
	(pc) =	sbr.ind lr, $3  }
0x3a: {  	_ = 	snop  }
0x3b: {  	_ = 	snop  }
0x3c: {  	p2 =	seq.s32 s10, $0x1;
	s10 =	sld [smem:$0x3FB5]  }
0x3d: {  	_ =	shalt  }
0x3e: {  	_ =	shalt  }
0x3f: {  	_ =	shalt  }
0x40: {  	_ =	shalt  }
0x41: {  	_ =	shalt  }
0x42: {  	_ =	shalt  }
0x43: {  	_ =	shalt  }
0x44: {  	_ =	shalt  }
0x45: {  	_ =	shalt  }
0x46: {  	_ =	shalt  }
0x47: {  	_ =	shalt  }
0x48: {  	_ =	shalt  }
0x49: {  	_ =	shalt  }
0x4a: {  	_ =	shalt  }
0x4b: {  	_ =	shalt  }
0x4c: {  	_ =	shalt  }
0x4d: {  	_ =	shalt  }
0x4e: {  	_ =	shalt  }
0x4f: {  	_ =	shalt  }
0x50: {  	_ =	shalt  }
0x51: {  	_ =	shalt  }
0x52: {  	_ =	shalt  }
0x53: {  	_ =	shalt  }
0x54: {  	_ =	shalt  }
0x55: {  	_ =	shalt  }
0x56: {  	_ =	shalt  }
0x57: {  	_ =	shalt  }
0x58: {  	_ =	shalt  }
0x59: {  	_ =	shalt  }
0x5a: {  	_ =	shalt  }
0x5b: {  	_ =	shalt  }
0x5c: {  	_ =	shalt  }
0x5d: {  	_ =	shalt  }
0x5e: {  	_ =	shalt  }
0x5f: {  	_ =	shalt  }
0x60: {  	_ =	shalt  }
0x61: {  	_ =	shalt  }
0x62: {  	_ =	shalt  }
0x63: {  	_ =	shalt  }
0x64: {  	_ =	shalt  }
0x65: {  	_ =	shalt  }
0x66: {  	_ =	shalt  }
0x67: {  	_ =	shalt  }
0x68: {  	_ =	shalt  }
0x69: {  	_ =	shalt  }
0x6a: {  	_ =	shalt  }
0x6b: {  	_ =	shalt  }
0x6c: {  	_ =	shalt  }
0x6d: {  	_ =	shalt  }
0x6e: {  	_ =	shalt  }
0x6f: {  	_ =	shalt  }
0x70: {  	_ =	shalt  }
0x71: {  	_ =	shalt  }
0x72: {  	_ =	shalt  }
0x73: {  	_ =	shalt  }
0x74: {  	_ =	shalt  }
0x75: {  	_ =	shalt  }
0x76: {  	_ =	shalt  }
0x77: {  	_ =	shalt  }
0x78: {  	_ =	shalt  }
0x79: {  	_ =	shalt  }
0x7a: {  	_ =	shalt  }
0x7b: {  	_ =	shalt  }
0x7c: {  	_ =	shalt  }
0x7d: {  	_ =	shalt  }
0x7e: {  	_ =	shalt  }
0x7f: {  	_ =	shalt  }
0x80: {  	_ =	shalt  }
0x81: {  	_ =	shalt  }
0x82: {  	_ =	shalt  }
0x83: {  	_ =	shalt  }
0x84: {  	_ =	shalt  }
0x85: {  	_ =	shalt  }
0x86: {  	_ =	shalt  }
0x87: {  	_ =	shalt  }
.Lfunc_end0:
.L_simem_size_0:
called_computation_lowered:
.L_overlay_start_0:
0x88: {  	s2 =	sld [smem:$0x3FD9]  }
0x89: {  	s3 =	sld [smem:$0x3FFE];
	_ =	sdelay $0x1  }
0x8a: {  	s1 =	srdreg.scid  }
0x8b: {  	s0 =	sand.u32 $0x1, s1  }
0x8c: {  	s16 =	sshll.u32 s0, $0xA;
	s2 =	sadd.s32 s3, s2  }
0x8d: {  	s2 =	sadd.s32 s2, s16  }
0x8e: {  	[smem:$0x3FC1] =	sst s2  }
0x8f: {  	_ = 	snop  }
0x90: {  	(tm) =	ssettm $0x1  }
0x91: {  	s17 =	sld [smem:$0x3FFB];
	_ =	sdelay $0x3  }
0x92: {  	_ =	strace s17  }
0x93: {  	s2 =	sld [smem:$0x3FFC];
	_ =	sdelay $0x3  }
0x94: {  	_ =	strace s2  }
0x95: {  	s2 =	sld [smem:$0x3FFD];
	_ =	sdelay $0x3  }
0x96: {  	_ =	strace s2  }
0x97: {  	_ =	strace $0x8FFFFFFF  }
0x98: {  	s18 =	sld [smem:$0x3FDB];
	_ =	sdelay $0x1  }
0x99: {  	s19 =	simm.s32 $_scs_section_size  }
0x9a: {  	s4 =	simm.s32 $_size__tile_overlayer_lowered;
	s5 =	simm.s32 $_tile_overlayer_lowered  }
0x9b: {  	s22 =	simm.s32 $0x1BFF;
	s21 =	sshll.u32 s5, $0x1;
	s2 =	sadd.s32 s19, s18  }
0x9c: {  	s6 =	simm.s32 $0x0;
	s20 =	sshll.u32 s4, $0x1;
	s4 =	sadd.s32 s21, s2  }
0x9d: {  	[timem:s6], [sflag:s22] =	dma.local [hbm:s4], s20  }
0x9e: {  	_ =	swait.ge [sflag:s22], s20  }
0x9f: {  	s3 =	ssub.s32 $0x0, s20;
	[sflag:s22] =	ssyncset.done $0x0  }
0xa0: {  	[sflag:s22] =	ssyncadd.s32 s3;
	_ =	sdelay $0x1  }
0xa1: {  	s23 =	simm.s32 $0x1B8B  }
0xa2: {  	_ =	swait.ge [sflag:s23], $0x1  }
0xa3: {  	[sflag:s23] =	ssyncset.done $0x0  }
0xa4: {  	s25 =	simm.s32 $0x1B8E;
	s24 =	sld [smem:$0x3FFE];
	[sflag:s23] =	ssyncadd.s32 $0xFFFFFFFF  }
0xa5: {  	s26 =	simm.s32 $execute0_lowered;
	[smem:$0x3FD2] =	sst s25  }
0xa6: {  	s4 =	sshll.u32 s26, $0x1;
	_ =	strace $0x80000046;
	[dreg:$0x1] =	wrdreg $0xFFFFFFFF  }
0xa7: {  	s28 =	simm.s32 $_size_execute0_lowered;
	s2 =	sadd.s32 s2, s4;
	[dreg:$0x0] =	wrdreg $0x0  }
0xa8: {  	s4 =	sshll.u32 s28, $0x1;
	[dreg:$0x2] =	wrdreg s2  }
0xa9: {  	[dreg:$0x3] =	wrdreg s4  }
0xaa: {  	[dreg:$0x4] =	wrdreg $0xC0  }
0xab: {  	_ =	task [dreg:s6], $0x5FFFF  }
0xac: {  	[dreg:$0x1] =	wrdreg $0xFFFFFFFF  }
0xad: {  	[dreg:$0x0] =	wrdreg $0x60  }
0xae: {  	[dreg:$0x2] =	wrdreg s24  }
0xaf: {  	[dreg:$0x3] =	wrdreg $0x9  }
0xb0: {  	_ =	task.clear_ibuf [dreg:s6], $0x4FFFF;
	_ =	strace $0x90000046  }
0xb1: {  	s29 =	simm.s32 $0x9;
	_ =	strace $0x80000048  }
0xb2: {  	_ =	swait.ge [sflag:s29], $0x1  }
0xb3: {  	[sflag:s29] =	ssyncadd.s32 $0xFFFFFFFF  }
0xb4: {  	_ =	strace $0x90000048  }
0xb5: {  	_ =	sfence  }
0xb6: {  	s30 =	sld [smem:$0x0];
	_ =	sdelay $0x2  }
0xb7: {  	s31 =	sshll.u32 s1, $0xD;
	s1 =	sshrl.u32 s1, $0x2  }
0xb8: {  	s3 =	sand.u32 $0x4000, s31;
	s1 =	sadd.s32 s1, s30  }
0xb9: {  	s0 =	sor.u32 s3, s0;
	s1 =	sshll.u32 s1, $0x11  }
0xba: {  	s0 =	sor.u32 s1, s0  }
0xbb: {  	s0 =	sadd.s32 $0x8F2B, s0  }
0xbc: {  	[sflag:s0] =	ssyncadd.remote.s32 $0x1  }
0xbd: {  	_ =	sfence.sel $0xFFFF  }
0xbe: {  	[dreg:$0x0] =	wrdreg $0xFFFFFFFF;
	(pc) =	sbr.abs _section_cstart, $3  }
0xbf: {  	[dreg:$0x1] =	wrdreg $0xFFFFFFFF  }
0xc0: {  	_ =	task.clear_ibuf [dreg:s6], $0x2FFFF;
	_ =	strace $0x9FFFFFFF  }
0xc1: {  	(tm) =	ssettm $0x7FFFFFFF  }
tec
execute0_lowered:
.L_overlay_start_1:
0x0: {  	(tag) =	ssettag $0x1  }
0x1: {  	s1 =	srdreg.scid  }
0x2: {  	s0 =	stileid.u32;
	s17 =	sand.u32 $0x1, s1  }
0x3: {  	s13 =	rddreg [dreg:$0x0];
	s3 =	sshll.u32 s0, $0xA;
	s4 =	sshll.u32 s17, $0x9  }
0x4: {  	s2 =	simm.s32 $0x0;
	s1 =	rddreg [dreg:$0x1];
	s14 =	sor.u32 s4, s3  }
0x5: {  	[smem:$0x7FF] =	sst s2;
	s15 =	sadd.s32 $0x3800, s13;
	s5 =	sshrl.u32 s14, $0x3  }
0x6: {  	_ =	strace $0x80000047;
	s3 =	simm.s32 $0x3;
	s4 =	sadd.s32 s15, s5  }
0x7: {  	[tilespmem:s2], [sflag:$0x3] =	stream.linear.gather [hbm4b:s4+s2], $0x100, $0x38;
	[tilespmem:$0x10200] =	vst v63  }
0x8: {  	_ =	swait.ge [sflag:s3], $0x100  }
0x9: {  	s16 =	sadd.s32 $0x3000, s13;
	[sflag:s3] =	ssyncset.done $0x0  }
0xa: {  	s6 =	simm.s32 $0x100;
	s5 =	sadd.s32 s16, s5;
	[sflag:s3] =	ssyncadd.s32 $0xFFFFFF00  }
0xb: {  	[tilespmem:s6], [sflag:$0x3] =	stream.linear.gather [hbm4b:s5+s2], $0x100, $0x38;
	[tilespmem:$0x10200] =	vst v63  }
0xc: {  	_ =	swait.ge [sflag:s3], $0x100  }
0xd: {  	[sflag:s3] =	ssyncset.done $0x0  }
0xe: {  	s8 =	simm.s32 $0x200;
	s7 =	sadd.s32 $0xF44400, s13;
	[sflag:s3] =	ssyncadd.s32 $0xFFFFFF00  }
0xf: {  	[tilespmem:s8], [sflag:$0x1] =	stream.indirect.gather [hbm4b:s7+s6], $0x80, s2, s6, $0xb8;
	[tilespmem:$0x10200] =	vst v63  }
0x10: {  	s9 =	simm.s32 $0x8200;
	s10 =	simm.s32 $0x1  }
0x11: {  	[tilespmem:s9], [sflag:$0x2] =	stream.indirect.gather [hbm4b:s7+s6], $0x80, s6, s6, $0xb8;
	[tilespmem:$0x10200] =	vst v63  }
0x12: {  	_ =	swait.ge [sflag:s10], $0x8000  }
0x13: {  	s18 =	sadd.s32 $0x4000, s13;
	s19 =	sshll.u32 s14, $0x4;
	[sflag:s10] =	ssyncset.done $0x0  }
0x14: {  	s11 =	sadd.s32 s18, s19;
	[sflag:s10] =	ssyncadd.s32 $0xFFFF8000  }
0x15: {  	[hbm4b:s11+s2] =	stream.linear.scatter [tilespmem:s8], [sflag:$0x3], $0x8000, $0x38;
	[tilespmem:$0x10200] =	vst v63  }
0x16: {  	_ =	swait.ge [sflag:s3], $0x8000  }
0x17: {  	[sflag:s3] =	ssyncset.done $0x0  }
0x18: {  	s12 =	simm.s32 $0x2;
	[sflag:s3] =	ssyncadd.s32 $0xFFFF8000  }
0x19: {  	_ =	swait.ge [sflag:s12], $0x8000  }
0x1a: {  	s20 =	sadd.s32 $0x44000, s13;
	[sflag:s12] =	ssyncset.done $0x0  }
0x1b: {  	s13 =	sadd.s32 s20, s19;
	[sflag:s12] =	ssyncadd.s32 $0xFFFF8000  }
0x1c: {  	[hbm4b:s13+s2] =	stream.linear.scatter [tilespmem:s9], [sflag:$0x3], $0x8000, $0x38;
	[tilespmem:$0x10200] =	vst v63  }
0x1d: {  	s30 =	sor.u32 $0x100, s14;
	_ =	swait.ge [sflag:s3], $0x8000  }
0x1e: {  	s21 =	sshrl.u32 s30, $0x3;
	[sflag:s3] =	ssyncset.done $0x0  }
0x1f: {  	s14 =	sadd.s32 s15, s21;
	[sflag:s3] =	ssyncadd.s32 $0xFFFF8000  }
0x20: {  	[tilespmem:s2], [sflag:$0x3] =	stream.linear.gather [hbm4b:s14+s2], $0x100, $0x38;
	[tilespmem:$0x10200] =	vst v63  }
0x21: {  	_ =	swait.ge [sflag:s3], $0x100  }
0x22: {  	[sflag:s3] =	ssyncset.done $0x0  }
0x23: {  	s15 =	sadd.s32 s16, s21;
	[sflag:s3] =	ssyncadd.s32 $0xFFFFFF00  }
0x24: {  	[tilespmem:s6], [sflag:$0x3] =	stream.linear.gather [hbm4b:s15+s2], $0x100, $0x38;
	[tilespmem:$0x10200] =	vst v63  }
0x25: {  	_ =	swait.ge [sflag:s3], $0x100  }
0x26: {  	[sflag:s3] =	ssyncset.done $0x0  }
0x27: {  	[sflag:s3] =	ssyncadd.s32 $0xFFFFFF00  }
0x28: {  	[tilespmem:s8], [sflag:$0x1] =	stream.indirect.gather [hbm4b:s7+s6], $0x80, s2, s6, $0xb8;
	[tilespmem:$0x10200] =	vst v63  }
0x29: {  	_ = 	snop  }
0x2a: {  	[tilespmem:s9], [sflag:$0x2] =	stream.indirect.gather [hbm4b:s7+s6], $0x80, s6, s6, $0xb8;
	[tilespmem:$0x10200] =	vst v63  }
0x2b: {  	_ =	swait.ge [sflag:s10], $0x8000  }
0x2c: {  	s19 =	sshll.u32 s30, $0x4;
	[sflag:s10] =	ssyncset.done $0x0  }
0x2d: {  	s17 =	ssub.s32 $0x2, s17;
	s16 =	sadd.s32 s18, s19;
	[sflag:s10] =	ssyncadd.s32 $0xFFFF8000  }
0x2e: {  	[hbm4b:s16+s2] =	stream.linear.scatter [tilespmem:s8], [sflag:$0x3], $0x8000, $0x38;
	[tilespmem:$0x10200] =	vst v63  }
0x2f: {  	s31 =	sshrl.u32 s17, $0x1;
	_ =	swait.ge [sflag:s3], $0x8000  }
0x30: {  	s18 =	ssub.s32 s17, s31;
	[sflag:s3] =	ssyncset.done $0x0  }
0x31: {  	s18 =	smax.u32 s18, $0x1;
	[sflag:s3] =	ssyncadd.s32 $0xFFFF8000  }
0x32: {  	p0 =	sne.s32 s18, $0x1;
	_ =	swait.ge [sflag:s12], $0x8000  }
.Ltmp0:
0x33: {  	[sflag:s12] =	ssyncset.done $0x0;
	(pc) =	sbr.rel @!p0 .LBB2_2-.Ltmp0, $4  }
0x34: {  	s17 =	sadd.s32 s20, s19;
	[sflag:s12] =	ssyncadd.s32 $0xFFFF8000  }
0x35: {  	[hbm4b:s17+s2] =	stream.linear.scatter [tilespmem:s9], [sflag:$0x3], $0x8000, $0x38;
	[tilespmem:$0x10200] =	vst v63  }
0x36: {  	_ =	swait.ge [sflag:s3], $0x8000  }
0x37: {  	s18 =	sadd.s32 $0xFFFFFFFF, s18;
	[sflag:s3] =	ssyncset.done $0x0  }
.LBB2_1:
0x38: {  	p0 =	sne.s32 s18, $0x1;
	s18 =	sadd.s32 $0xFFFFFFFF, s18;
	[sflag:s3] =	ssyncadd.s32 $0xFFFF8000  }
0x39: {  	[tilespmem:s2], [sflag:$0x3] =	stream.linear.gather [hbm4b:s4+s2], $0x100, $0x38;
	[tilespmem:$0x10200] =	vst v63  }
0x3a: {  	_ =	swait.ge [sflag:s3], $0x100  }
0x3b: {  	[sflag:s3] =	ssyncset.done $0x0  }
0x3c: {  	[sflag:s3] =	ssyncadd.s32 $0xFFFFFF00  }
0x3d: {  	[tilespmem:s6], [sflag:$0x3] =	stream.linear.gather [hbm4b:s5+s2], $0x100, $0x38;
	[tilespmem:$0x10200] =	vst v63  }
0x3e: {  	_ =	swait.ge [sflag:s3], $0x100  }
0x3f: {  	[sflag:s3] =	ssyncset.done $0x0  }
0x40: {  	[sflag:s3] =	ssyncadd.s32 $0xFFFFFF00  }
0x41: {  	[tilespmem:s8], [sflag:$0x1] =	stream.indirect.gather [hbm4b:s7+s6], $0x80, s2, s6, $0xb8;
	[tilespmem:$0x10200] =	vst v63  }
0x42: {  	_ = 	snop  }
0x43: {  	[tilespmem:s9], [sflag:$0x2] =	stream.indirect.gather [hbm4b:s7+s6], $0x80, s6, s6, $0xb8;
	[tilespmem:$0x10200] =	vst v63  }
0x44: {  	_ =	swait.ge [sflag:s10], $0x8000  }
0x45: {  	[sflag:s10] =	ssyncset.done $0x0  }
0x46: {  	[sflag:s10] =	ssyncadd.s32 $0xFFFF8000  }
0x47: {  	[hbm4b:s11+s2] =	stream.linear.scatter [tilespmem:s8], [sflag:$0x3], $0x8000, $0x38;
	[tilespmem:$0x10200] =	vst v63  }
0x48: {  	_ =	swait.ge [sflag:s3], $0x8000  }
0x49: {  	[sflag:s3] =	ssyncset.done $0x0  }
0x4a: {  	[sflag:s3] =	ssyncadd.s32 $0xFFFF8000  }
0x4b: {  	_ =	swait.ge [sflag:s12], $0x8000  }
0x4c: {  	[sflag:s12] =	ssyncset.done $0x0  }
0x4d: {  	[sflag:s12] =	ssyncadd.s32 $0xFFFF8000  }
0x4e: {  	[hbm4b:s13+s2] =	stream.linear.scatter [tilespmem:s9], [sflag:$0x3], $0x8000, $0x38;
	[tilespmem:$0x10200] =	vst v63  }
0x4f: {  	_ =	swait.ge [sflag:s3], $0x8000  }
0x50: {  	[sflag:s3] =	ssyncset.done $0x0  }
0x51: {  	[sflag:s3] =	ssyncadd.s32 $0xFFFF8000  }
0x52: {  	[tilespmem:s2], [sflag:$0x3] =	stream.linear.gather [hbm4b:s14+s2], $0x100, $0x38;
	[tilespmem:$0x10200] =	vst v63  }
0x53: {  	_ =	swait.ge [sflag:s3], $0x100  }
0x54: {  	[sflag:s3] =	ssyncset.done $0x0  }
0x55: {  	[sflag:s3] =	ssyncadd.s32 $0xFFFFFF00  }
0x56: {  	[tilespmem:s6], [sflag:$0x3] =	stream.linear.gather [hbm4b:s15+s2], $0x100, $0x38;
	[tilespmem:$0x10200] =	vst v63  }
0x57: {  	_ =	swait.ge [sflag:s3], $0x100  }
0x58: {  	[sflag:s3] =	ssyncset.done $0x0  }
0x59: {  	[sflag:s3] =	ssyncadd.s32 $0xFFFFFF00  }
0x5a: {  	[tilespmem:s8], [sflag:$0x1] =	stream.indirect.gather [hbm4b:s7+s6], $0x80, s2, s6, $0xb8;
	[tilespmem:$0x10200] =	vst v63  }
0x5b: {  	_ = 	snop  }
0x5c: {  	[tilespmem:s9], [sflag:$0x2] =	stream.indirect.gather [hbm4b:s7+s6], $0x80, s6, s6, $0xb8;
	[tilespmem:$0x10200] =	vst v63  }
0x5d: {  	_ =	swait.ge [sflag:s10], $0x8000  }
0x5e: {  	[sflag:s10] =	ssyncset.done $0x0  }
0x5f: {  	[sflag:s10] =	ssyncadd.s32 $0xFFFF8000  }
0x60: {  	[hbm4b:s16+s2] =	stream.linear.scatter [tilespmem:s8], [sflag:$0x3], $0x8000, $0x38;
	[tilespmem:$0x10200] =	vst v63  }
0x61: {  	_ =	swait.ge [sflag:s3], $0x8000  }
0x62: {  	[sflag:s3] =	ssyncset.done $0x0  }
0x63: {  	[sflag:s3] =	ssyncadd.s32 $0xFFFF8000  }
0x64: {  	_ =	swait.ge [sflag:s12], $0x8000  }
.Ltmp1:
0x65: {  	[sflag:s12] =	ssyncset.done $0x0;
	(pc) =	sbr.rel @p0 .LBB2_1-.Ltmp1, $4  }
0x66: {  	[sflag:s12] =	ssyncadd.s32 $0xFFFF8000  }
0x67: {  	[hbm4b:s17+s2] =	stream.linear.scatter [tilespmem:s9], [sflag:$0x3], $0x8000, $0x38;
	[tilespmem:$0x10200] =	vst v63  }
0x68: {  	_ =	swait.ge [sflag:s3], $0x8000  }
0x69: {  	[sflag:s3] =	ssyncset.done $0x0  }
.LBB2_2:
0x6a: {  	[sflag:s3] =	ssyncadd.s32 $0xFFFF8000  }
0x6b: {  	_ =	sfence.sel $0x180000  }
0x6c: {  	[bflag:$0x0] =	sbarrier.arrive $0xFFFF  }
0x6d: {  	p0 =	sne.s32 s0, $0x0;
	_ =	strace $0x90000047  }
0x6e: {  	s0 =	sadd.s32 @!p0 $0x100000, s1;
	[bflag:$0x2] =	sbarrier.arrive $0xFFFF  }
0x6f: {  	[sflag:s0] =	ssyncadd.tile.s32 @!p0 $0x1;
	_ =	shalt  }
.Lfunc_end2:
_tile_overlayer_lowered:
.L_overlay_start_2:
0x70: {  	(tag) =	ssettag $0x2  }
0x71: {  	s0 =	rddreg [dreg:$0x0];
	s2 =	stileid.u32  }
0x72: {  	s1 =	rddreg [dreg:$0x1];
	p0 =	sne.s32 s2, $0x0  }
0x73: {  	s3 =	rddreg [dreg:$0x2];
	[bflag:$0x3] =	sbarrier.arrive $0xFFFF;
	s2 =	simm.s32 @!p0 $0x1C03  }
0x74: {  	[timem:s3], [sflag:s2] =	dma.local @!p0 [hbm:s0], s1  }
0x75: {  	s0 =	simm.s32 @!p0 $0x3  }
0x76: {  	_ =	swait.ge @!p0 [sflag:s0], s1  }
0x77: {  	s1 =	ssub.s32 @!p0 $0x0, s1;
	[sflag:s0] =	ssyncset.done @!p0 $0x0  }
0x78: {  	[sflag:s0] =	ssyncadd.s32 @!p0 s1  }
0x79: {  	[bflag:$0x3] =	sbarrier.arrive $0xFFFF  }
0x7a: {  	_ =	shalt  }

// kernel: kernel.8.cloned.1.call-start
scs
__scs_entry_jumppad:
0x0: {  	(pc) =	sbr.rel $0x88, $3  }
0x1: {  	(tag) =	ssettag $0x0;
	lr =	simm.s32 $0x1  }
0x2: {  	[smem:$0x3F9A] =	sst lr;
	_ =	strace $0xD0000000  }
0x3: {  	_ = 	snop  }
0x4: {  	_ = 	snop  }
0x5: {  	_ = 	snop  }
0x6: {  	_ = 	snop  }
0x7: {  	_ = 	snop  }
__scs_overlays_trampoline_lowered:
0x8: {  	[smem:$0x3FA9] =	sst s0  }
0x9: {  	[smem:$0x3FAA] =	sst s1  }
0xa: {  	[smem:$0x3FAB] =	sst s2  }
0xb: {  	[smem:$0x3FAC] =	sst s3  }
0xc: {  	[smem:$0x3FAD] =	sst s4  }
0xd: {  	[smem:$0x3FAE] =	sst s5  }
0xe: {  	[smem:$0x3FAF] =	sst s6  }
0xf: {  	[smem:$0x3FB0] =	sst s7  }
0x10: {  	[smem:$0x3FB1] =	sst s8  }
0x11: {  	[smem:$0x3FB2] =	sst s9;
	s0 =	simm.s32 @!p0 $0x0  }
0x12: {  	s1 =	sld [smem:$0x3F98];
	s0 =	simm.s32 @p0 $0x1  }
0x13: {  	[smem:$0x3FB3] =	sst s0;
	s0 =	simm.s32 @!p1 $0x0  }
0x14: {  	s2 =	sld [smem:$0x3F97];
	s0 =	simm.s32 @p1 $0x1  }
0x15: {  	[smem:$0x3FB4] =	sst s0;
	s0 =	simm.s32 @!p2 $0x0  }
0x16: {  	s3 =	sld [smem:$0x3FDB];
	s0 =	simm.s32 @p2 $0x1  }
0x17: {  	s4 =	simm.s32 $0x1BF5;
	[smem:$0x3FB6] =	sst s0  }
0x18: {  	s0 =	sld [smem:$0x3F99];
	_ =	swait.ge [sflag:s4], $0x0  }
0x19: {  	s7 =	sld [smem:$0x3F9A]  }
0x1a: {  	s8 =	sadd.s32 $0xFFFFE003, lr  }
0x1b: {  	s9 =	sadd.s32 $0xFFFFFEF7, lr;
	s5 =	simm.s32 $0xFFFFFFFF;
	p2 =	slt.u32 s8, $0xFFFFF086  }
0x1c: {  	p1 =	slt.u32 s9, $0xF7A;
	s5 =	simm.s32 @!p2 $0x0  }
0x1d: {  	s5 =	simm.s32 @p1 $0x1;
	p0 =	seq.s32 s7, s2  }
0x1e: {  	s7 =	smul.u32 @!p0 $0xF7A, s2;
	p2 =	seq.s32 @!p0 s5, $0x0  }
0x1f: {  	s9 =	smul.u32 $0xF7A, s1;
	s8 =	simm.s32 @!p0 $0x1BF5;
	p2 =	por !p2, p0  }
0x20: {  	[sflag:s8] =	ssyncset.s32 @!p0 $0xFFFFF086;
	s6 =	sadd.s32 @!p0 s3, s7;
	s7 =	simm.s32 @!p0 $0x108  }
0x21: {  	s3 =	sadd.s32 s3, s9;
	s6 =	sadd.s32 @!p0 $0x88, s6;
	s7 =	simm.s32 @p2 $0x1082  }
0x22: {  	[simem:s7], [sflag:s8] =	dma.local @!p0 [hbm:s6], $0xF7A  }
0x23: {  	s9 =	sor.u32 $0xD0000000, s2;
	s6 =	simm.s32 $0x108;
	_ =	swait.ge @!p0 [sflag:s8], $0x0  }
0x24: {  	s3 =	sadd.s32 $0x88, s3;
	s6 =	simm.s32 @!p1 $0x1082;
	[sflag:s4] =	ssyncset.s32 $0xFFFFF086  }
0x25: {  	[simem:s6], [sflag:s4] =	dma.local [hbm:s3], $0xF7A  }
0x26: {  	[smem:$0x3F9A] =	sst s1;
	(tag) =	ssettag s2;
	_ =	strace s9  }
0x27: {  	s1 =	sld [smem:$0x3FAA]  }
0x28: {  	s2 =	sld [smem:$0x3FAB]  }
0x29: {  	s4 =	sld [smem:$0x3FAD]  }
0x2a: {  	p0 =	seq.s32 s5, $0x0;
	s5 =	sld [smem:$0x3FAE]  }
0x2b: {  	s6 =	sld [smem:$0x3FAF]  }
0x2c: {  	s7 =	sld [smem:$0x3FB0]  }
0x2d: {  	s3 =	simm.s32 $0x108;
	s8 =	sld [smem:$0x3FB1]  }
0x2e: {  	s3 =	simm.s32 @!p0 $0x1082;
	s9 =	sld [smem:$0x3FB2]  }
0x2f: {  	lr =	sadd.s32 s0, s3;
	s0 =	sld [smem:$0x3FA9]  }
0x30: {  	s3 =	sld [smem:$0x3FAC]  }
0x31: {  	[smem:$0x3FB5] =	sst s10  }
0x32: {  	s10 =	sld [smem:$0x3FB3];
	_ =	sdelay $0x3  }
0x33: {  	p0 =	seq.s32 s10, $0x1;
	s10 =	sld [smem:$0x3FB5];
	_ =	sdelay $0x3  }
0x34: {  	[smem:$0x3FB5] =	sst s10  }
0x35: {  	s10 =	sld [smem:$0x3FB4];
	_ =	sdelay $0x3  }
0x36: {  	p1 =	seq.s32 s10, $0x1;
	s10 =	sld [smem:$0x3FB5];
	_ =	sdelay $0x3  }
0x37: {  	[smem:$0x3FB5] =	sst s10  }
0x38: {  	s10 =	sld [smem:$0x3FB6]  }
0x39: {  	_ = 	snop;
	(pc) =	sbr.ind lr, $3  }
0x3a: {  	_ = 	snop  }
0x3b: {  	_ = 	snop  }
0x3c: {  	p2 =	seq.s32 s10, $0x1;
	s10 =	sld [smem:$0x3FB5]  }
0x3d: {  	_ =	shalt  }
0x3e: {  	_ =	shalt  }
0x3f: {  	_ =	shalt  }
0x40: {  	_ =	shalt  }
0x41: {  	_ =	shalt  }
0x42: {  	_ =	shalt  }
0x43: {  	_ =	shalt  }
0x44: {  	_ =	shalt  }
0x45: {  	_ =	shalt  }
0x46: {  	_ =	shalt  }
0x47: {  	_ =	shalt  }
0x48: {  	_ =	shalt  }
0x49: {  	_ =	shalt  }
0x4a: {  	_ =	shalt  }
0x4b: {  	_ =	shalt  }
0x4c: {  	_ =	shalt  }
0x4d: {  	_ =	shalt  }
0x4e: {  	_ =	shalt  }
0x4f: {  	_ =	shalt  }
0x50: {  	_ =	shalt  }
0x51: {  	_ =	shalt  }
0x52: {  	_ =	shalt  }
0x53: {  	_ =	shalt  }
0x54: {  	_ =	shalt  }
0x55: {  	_ =	shalt  }
0x56: {  	_ =	shalt  }
0x57: {  	_ =	shalt  }
0x58: {  	_ =	shalt  }
0x59: {  	_ =	shalt  }
0x5a: {  	_ =	shalt  }
0x5b: {  	_ =	shalt  }
0x5c: {  	_ =	shalt  }
0x5d: {  	_ =	shalt  }
0x5e: {  	_ =	shalt  }
0x5f: {  	_ =	shalt  }
0x60: {  	_ =	shalt  }
0x61: {  	_ =	shalt  }
0x62: {  	_ =	shalt  }
0x63: {  	_ =	shalt  }
0x64: {  	_ =	shalt  }
0x65: {  	_ =	shalt  }
0x66: {  	_ =	shalt  }
0x67: {  	_ =	shalt  }
0x68: {  	_ =	shalt  }
0x69: {  	_ =	shalt  }
0x6a: {  	_ =	shalt  }
0x6b: {  	_ =	shalt  }
0x6c: {  	_ =	shalt  }
0x6d: {  	_ =	shalt  }
0x6e: {  	_ =	shalt  }
0x6f: {  	_ =	shalt  }
0x70: {  	_ =	shalt  }
0x71: {  	_ =	shalt  }
0x72: {  	_ =	shalt  }
0x73: {  	_ =	shalt  }
0x74: {  	_ =	shalt  }
0x75: {  	_ =	shalt  }
0x76: {  	_ =	shalt  }
0x77: {  	_ =	shalt  }
0x78: {  	_ =	shalt  }
0x79: {  	_ =	shalt  }
0x7a: {  	_ =	shalt  }
0x7b: {  	_ =	shalt  }
0x7c: {  	_ =	shalt  }
0x7d: {  	_ =	shalt  }
0x7e: {  	_ =	shalt  }
0x7f: {  	_ =	shalt  }
0x80: {  	_ =	shalt  }
0x81: {  	_ =	shalt  }
0x82: {  	_ =	shalt  }
0x83: {  	_ =	shalt  }
0x84: {  	_ =	shalt  }
0x85: {  	_ =	shalt  }
0x86: {  	_ =	shalt  }
0x87: {  	_ =	shalt  }
.Lfunc_end0:
.L_simem_size_0:
called_computation.1_lowered:
.L_overlay_start_0:
0x88: {  	s2 =	sld [smem:$0x3FD9]  }
0x89: {  	s3 =	sld [smem:$0x3FFE];
	_ =	sdelay $0x1  }
0x8a: {  	s1 =	srdreg.scid  }
0x8b: {  	s0 =	sand.u32 $0x1, s1  }
0x8c: {  	s17 =	sshll.u32 s0, $0xA;
	s2 =	sadd.s32 s3, s2  }
0x8d: {  	s2 =	sadd.s32 s2, s17  }
0x8e: {  	[smem:$0x3FC1] =	sst s2  }
0x8f: {  	_ = 	snop  }
0x90: {  	(tm) =	ssettm $0x1  }
0x91: {  	s18 =	sld [smem:$0x3FFB];
	_ =	sdelay $0x3  }
0x92: {  	_ =	strace s18  }
0x93: {  	s2 =	sld [smem:$0x3FFC];
	_ =	sdelay $0x3  }
0x94: {  	_ =	strace s2  }
0x95: {  	s2 =	sld [smem:$0x3FFD];
	_ =	sdelay $0x3  }
0x96: {  	_ =	strace s2  }
0x97: {  	_ =	strace $0x8FFFFFFF  }
0x98: {  	s19 =	sld [smem:$0x3FDB];
	_ =	sdelay $0x1  }
0x99: {  	s20 =	simm.s32 $_scs_section_size  }
0x9a: {  	s4 =	simm.s32 $_size__tile_overlayer_lowered;
	s5 =	simm.s32 $_tile_overlayer_lowered  }
0x9b: {  	s6 =	simm.s32 $0x1BFF;
	s21 =	sshll.u32 s5, $0x1;
	s3 =	sadd.s32 s20, s19  }
0x9c: {  	s22 =	simm.s32 $0x0;
	s4 =	sshll.u32 s4, $0x1;
	s5 =	sadd.s32 s21, s3  }
0x9d: {  	[timem:s22], [sflag:s6] =	dma.local [hbm:s5], s4  }
0x9e: {  	_ =	swait.ge [sflag:s6], s4  }
0x9f: {  	s4 =	ssub.s32 $0x0, s4;
	[sflag:s6] =	ssyncset.done $0x0  }
0xa0: {  	[sflag:s6] =	ssyncadd.s32 s4;
	_ =	sdelay $0x1  }
0xa1: {  	s23 =	simm.s32 $0x1B8B  }
0xa2: {  	_ =	swait.ge [sflag:s23], $0x1  }
0xa3: {  	[sflag:s23] =	ssyncset.done $0x0  }
0xa4: {  	[sflag:s23] =	ssyncadd.s32 $0xFFFFFFFF  }
0xa5: {  	s4 =	sld [smem:$0x0]  }
0xa6: {  	s5 =	sand.u32 $0xFFFFFFFE, s1  }
0xa7: {  	p0 =	sne.s32 s1, s5  }
0xa8: {  	s5 =	sshll.u32 @p0 s5, $0xE  }
0xa9: {  	s5 =	sadd.s32 @p0 $0x11B8D, s5;
	s6 =	sshll.u32 @p0 s4, $0x11  }
0xaa: {  	s5 =	sor.u32 @p0 s6, s5  }
0xab: {  	[sflag:s5] =	ssyncadd.remote.s32 @p0 $0x1;
	_ =	sdelay $0x1  }
0xac: {  	s5 =	simm.s32 @p0 $0x1B8D  }
0xad: {  	_ =	swait.eq @p0 [sflag:s5], $0x1  }
0xae: {  	[sflag:s5] =	ssyncadd.s32 @p0 $0xFFFFFFFF  }
0xaf: {  	s6 =	sshll.u32 @!p0 s1, $0xE  }
0xb0: {  	s6 =	sor.u32 @!p0 $0x4000, s6;
	s5 =	simm.s32 @!p0 $0x1B8D  }
0xb1: {  	s4 =	sshll.u32 @!p0 s4, $0x11;
	s6 =	sadd.s32 @!p0 $0x11B8D, s6;
	_ =	swait.eq @!p0 [sflag:s5], $0x1  }
0xb2: {  	s4 =	sor.u32 @!p0 s4, s6;
	[sflag:s5] =	ssyncadd.s32 @!p0 $0xFFFFFFFF  }
0xb3: {  	s25 =	simm.s32 $0x1B8E;
	s24 =	sld [smem:$0x3FFE];
	[sflag:s4] =	ssyncadd.remote.s32 @!p0 $0x1  }
0xb4: {  	s26 =	simm.s32 $execute0_lowered;
	[smem:$0x3FD2] =	sst s25  }
0xb5: {  	s5 =	sshll.u32 s26, $0x1;
	_ =	strace $0x80000049;
	[dreg:$0x1] =	wrdreg $0xFFFFFFFF  }
0xb6: {  	s28 =	simm.s32 $_size_execute0_lowered;
	s3 =	sadd.s32 s3, s5;
	[dreg:$0x0] =	wrdreg $0x0  }
0xb7: {  	s5 =	sshll.u32 s28, $0x1;
	[dreg:$0x2] =	wrdreg s3  }
0xb8: {  	[dreg:$0x3] =	wrdreg s5  }
0xb9: {  	[dreg:$0x4] =	wrdreg $0xC0  }
0xba: {  	_ =	task [dreg:s22], $0x5FFFF  }
0xbb: {  	[dreg:$0x1] =	wrdreg $0xFFFFFFFF  }
0xbc: {  	[dreg:$0x0] =	wrdreg $0x60  }
0xbd: {  	[dreg:$0x2] =	wrdreg s24  }
0xbe: {  	[dreg:$0x3] =	wrdreg $0xA  }
0xbf: {  	_ =	task.clear_ibuf [dreg:s22], $0x4FFFF;
	_ =	strace $0x90000049  }
0xc0: {  	s29 =	simm.s32 $0xA;
	_ =	strace $0x8000004B  }
0xc1: {  	_ =	swait.ge [sflag:s29], $0x1  }
0xc2: {  	[sflag:s29] =	ssyncadd.s32 $0xFFFFFFFF  }
0xc3: {  	_ =	strace $0x9000004B  }
0xc4: {  	_ =	sfence  }
0xc5: {  	s30 =	sld [smem:$0x0];
	_ =	sdelay $0x2  }
0xc6: {  	s31 =	sshll.u32 s1, $0xD;
	s1 =	sshrl.u32 s1, $0x2  }
0xc7: {  	s4 =	sand.u32 $0x4000, s31;
	s1 =	sadd.s32 s1, s30  }
0xc8: {  	s0 =	sor.u32 s4, s0;
	s1 =	sshll.u32 s1, $0x11  }
0xc9: {  	s0 =	sor.u32 s1, s0  }
0xca: {  	s0 =	sadd.s32 $0x8F2B, s0  }
0xcb: {  	[sflag:s0] =	ssyncadd.remote.s32 $0x1  }
0xcc: {  	_ =	sfence.sel $0xFFFF  }
0xcd: {  	[dreg:$0x0] =	wrdreg $0xFFFFFFFF;
	(pc) =	sbr.abs _section_cstart, $3  }
0xce: {  	[dreg:$0x1] =	wrdreg $0xFFFFFFFF  }
0xcf: {  	_ =	task.clear_ibuf [dreg:s22], $0x2FFFF;
	_ =	strace $0x9FFFFFFF  }
0xd0: {  	(tm) =	ssettm $0x7FFFFFFF  }
0xd1: {  	_ =	shalt  }
tec
execute0_lowered:
.L_overlay_start_1:
0x0: {  	(tag) =	ssettag $0x1  }
0x1: {  	s1 =	srdreg.scid  }
0x2: {  	s0 =	stileid.u32;
	s10 =	sand.u32 $0x1, s1  }
0x3: {  	s8 =	rddreg [dreg:$0x0];
	s3 =	sshll.u32 s0, $0xA;
	s4 =	sshll.u32 s10, $0x9  }
0x4: {  	s2 =	simm.s32 $0x0;
	s1 =	rddreg [dreg:$0x1];
	s9 =	sor.u32 s4, s3  }
0x5: {  	[smem:$0x7FF] =	sst s2;
	s11 =	sadd.s32 $0x825A00, s8;
	s3 =	sshrl.u32 s9, $0x3  }
0x6: {  	_ =	strace $0x8000004A;
	s4 =	sadd.s32 s11, s3;
	s3 =	simm.s32 $0x2  }
0x7: {  	[tilespmem:s2], [sflag:$0x2] =	stream.linear.gather [hbm4b:s4+s2], $0x100, $0x38;
	[tilespmem:$0x8100] =	vst v63  }
0x8: {  	_ =	swait.ge [sflag:s3], $0x100  }
0x9: {  	s6 =	simm.s32 $0x100;
	[sflag:s3] =	ssyncset.done $0x0  }
0xa: {  	s7 =	simm.s32 $0x1;
	s5 =	sadd.s32 $0x84000, s8;
	[sflag:s3] =	ssyncadd.s32 $0xFFFFFF00  }
0xb: {  	[tilespmem:s6], [sflag:$0x1] =	stream.indirect.gather [hbm4b:s5+s6], $0x80, s2, s6, $0xb8;
	[tilespmem:$0x8100] =	vst v63  }
0xc: {  	_ =	swait.ge [sflag:s7], $0x8000  }
0xd: {  	s12 =	sadd.s32 $0x826200, s8;
	s29 =	sshll.u32 s9, $0x4;
	[sflag:s7] =	ssyncset.done $0x0  }
0xe: {  	s8 =	sadd.s32 s12, s29;
	[sflag:s7] =	ssyncadd.s32 $0xFFFF8000  }
0xf: {  	[hbm4b:s8+s2] =	stream.linear.scatter [tilespmem:s6], [sflag:$0x2], $0x8000, $0x38;
	[tilespmem:$0x8100] =	vst v63  }
0x10: {  	s13 =	sor.u32 $0x100, s9;
	_ =	swait.ge [sflag:s3], $0x8000  }
0x11: {  	s9 =	sshrl.u32 s13, $0x3;
	[sflag:s3] =	ssyncset.done $0x0  }
0x12: {  	s10 =	ssub.s32 $0x2, s10;
	s9 =	sadd.s32 s11, s9;
	[sflag:s3] =	ssyncadd.s32 $0xFFFF8000  }
0x13: {  	[tilespmem:s2], [sflag:$0x2] =	stream.linear.gather [hbm4b:s9+s2], $0x100, $0x38;
	[tilespmem:$0x8100] =	vst v63  }
0x14: {  	s30 =	sshrl.u32 s10, $0x1;
	_ =	swait.ge [sflag:s3], $0x100  }
0x15: {  	s11 =	ssub.s32 s10, s30;
	[sflag:s3] =	ssyncset.done $0x0  }
0x16: {  	s11 =	smax.u32 s11, $0x1;
	[sflag:s3] =	ssyncadd.s32 $0xFFFFFF00  }
0x17: {  	[tilespmem:s6], [sflag:$0x1] =	stream.indirect.gather [hbm4b:s5+s6], $0x80, s2, s6, $0xb8;
	[tilespmem:$0x8100] =	vst v63  }
0x18: {  	p0 =	sne.s32 s11, $0x1;
	_ =	swait.ge [sflag:s7], $0x8000  }
.Ltmp0:
0x19: {  	s31 =	sshll.u32 s13, $0x4;
	[sflag:s7] =	ssyncset.done $0x0;
	(pc) =	sbr.rel @!p0 .LBB2_2-.Ltmp0, $4  }
0x1a: {  	s10 =	sadd.s32 s12, s31;
	[sflag:s7] =	ssyncadd.s32 $0xFFFF8000  }
0x1b: {  	[hbm4b:s10+s2] =	stream.linear.scatter [tilespmem:s6], [sflag:$0x2], $0x8000, $0x38;
	[tilespmem:$0x8100] =	vst v63  }
0x1c: {  	_ =	swait.ge [sflag:s3], $0x8000  }
0x1d: {  	s11 =	sadd.s32 $0xFFFFFFFF, s11;
	[sflag:s3] =	ssyncset.done $0x0  }
.LBB2_1:
0x1e: {  	p0 =	sne.s32 s11, $0x1;
	s11 =	sadd.s32 $0xFFFFFFFF, s11;
	[sflag:s3] =	ssyncadd.s32 $0xFFFF8000  }
0x1f: {  	[tilespmem:s2], [sflag:$0x2] =	stream.linear.gather [hbm4b:s4+s2], $0x100, $0x38;
	[tilespmem:$0x8100] =	vst v63  }
0x20: {  	_ =	swait.ge [sflag:s3], $0x100  }
0x21: {  	[sflag:s3] =	ssyncset.done $0x0  }
0x22: {  	[sflag:s3] =	ssyncadd.s32 $0xFFFFFF00  }
0x23: {  	[tilespmem:s6], [sflag:$0x1] =	stream.indirect.gather [hbm4b:s5+s6], $0x80, s2, s6, $0xb8;
	[tilespmem:$0x8100] =	vst v63  }
0x24: {  	_ =	swait.ge [sflag:s7], $0x8000  }
0x25: {  	[sflag:s7] =	ssyncset.done $0x0  }
0x26: {  	[sflag:s7] =	ssyncadd.s32 $0xFFFF8000  }
0x27: {  	[hbm4b:s8+s2] =	stream.linear.scatter [tilespmem:s6], [sflag:$0x2], $0x8000, $0x38;
	[tilespmem:$0x8100] =	vst v63  }
0x28: {  	_ =	swait.ge [sflag:s3], $0x8000  }
0x29: {  	[sflag:s3] =	ssyncset.done $0x0  }
0x2a: {  	[sflag:s3] =	ssyncadd.s32 $0xFFFF8000  }
0x2b: {  	[tilespmem:s2], [sflag:$0x2] =	stream.linear.gather [hbm4b:s9+s2], $0x100, $0x38;
	[tilespmem:$0x8100] =	vst v63  }
0x2c: {  	_ =	swait.ge [sflag:s3], $0x100  }
0x2d: {  	[sflag:s3] =	ssyncset.done $0x0  }
0x2e: {  	[sflag:s3] =	ssyncadd.s32 $0xFFFFFF00  }
0x2f: {  	[tilespmem:s6], [sflag:$0x1] =	stream.indirect.gather [hbm4b:s5+s6], $0x80, s2, s6, $0xb8;
	[tilespmem:$0x8100] =	vst v63  }
0x30: {  	_ =	swait.ge [sflag:s7], $0x8000  }
.Ltmp1:
0x31: {  	[sflag:s7] =	ssyncset.done $0x0;
	(pc) =	sbr.rel @p0 .LBB2_1-.Ltmp1, $4  }
0x32: {  	[sflag:s7] =	ssyncadd.s32 $0xFFFF8000  }
0x33: {  	[hbm4b:s10+s2] =	stream.linear.scatter [tilespmem:s6], [sflag:$0x2], $0x8000, $0x38;
	[tilespmem:$0x8100] =	vst v63  }
0x34: {  	_ =	swait.ge [sflag:s3], $0x8000  }
0x35: {  	[sflag:s3] =	ssyncset.done $0x0  }
.LBB2_2:
0x36: {  	[sflag:s3] =	ssyncadd.s32 $0xFFFF8000  }
0x37: {  	_ =	sfence.sel $0x180000  }
0x38: {  	[bflag:$0x0] =	sbarrier.arrive $0xFFFF  }
0x39: {  	p0 =	sne.s32 s0, $0x0;
	_ =	strace $0x9000004A  }
0x3a: {  	s0 =	sadd.s32 @!p0 $0x100000, s1;
	[bflag:$0x2] =	sbarrier.arrive $0xFFFF  }
0x3b: {  	[sflag:s0] =	ssyncadd.tile.s32 @!p0 $0x1;
	_ =	shalt  }
.Lfunc_end2:
_tile_overlayer_lowered:
.L_overlay_start_2:
0x3c: {  	(tag) =	ssettag $0x2  }
0x3d: {  	s0 =	rddreg [dreg:$0x0];
	s2 =	stileid.u32  }
0x3e: {  	s1 =	rddreg [dreg:$0x1];
	p0 =	sne.s32 s2, $0x0  }
0x3f: {  	s3 =	rddreg [dreg:$0x2];
	[bflag:$0x3] =	sbarrier.arrive $0xFFFF;
	s2 =	simm.s32 @!p0 $0x1C02  }
0x40: {  	[timem:s3], [sflag:s2] =	dma.local @!p0 [hbm:s0], s1  }
0x41: {  	s0 =	simm.s32 @!p0 $0x2  }
0x42: {  	_ =	swait.ge @!p0 [sflag:s0], s1  }
0x43: {  	s1 =	ssub.s32 @!p0 $0x0, s1;
	[sflag:s0] =	ssyncset.done @!p0 $0x0  }
0x44: {  	[sflag:s0] =	ssyncadd.s32 @!p0 s1  }
0x45: {  	[bflag:$0x3] =	sbarrier.arrive $0xFFFF  }
0x46: {  	_ =	shalt  }

</sc_bundles>
